<compile_context>
chip_gen: v7x
topology: tpu7x:2x2x1
jax: 0.10.2.dev20260603
libtpu: 0.0.44.dev20260713+nightly
codegen_flags: <defaults>
</compile_context>

<pallas_src>
import functools

import jax
import jax.numpy as jnp
from jax import lax
from jax.experimental import pallas as pl
from jax.experimental.pallas import tpu as pltpu
from jax.experimental.pallas import tpu_sc as plsc

B = 16384
D = 128
NC = 2
NS = 16
L = 16
NW = NC * NS
BPW = B // NW
CHUNK = 128
NCHUNK = BPW // CHUNK
NG = CHUNK // L


def _rsqrt(x):
    i = plsc.bitcast(x, jnp.int32)
    y = plsc.bitcast(jnp.full((L,), 0x5F3759DF, jnp.int32) - (i >> 1),
                     jnp.float32)
    for _ in range(3):
        y = y * (1.5 - 0.5 * x * y * y)
    return y


_mesh = plsc.VectorSubcoreMesh(core_axis_name="c", subcore_axis_name="s")


@functools.partial(
    pl.kernel,
    mesh=_mesh,
    out_type=jax.ShapeDtypeStruct((B,), jnp.float32),
    scratch_types=[
        pltpu.VMEM((BPW,), jnp.int32),
        pltpu.VMEM((BPW,), jnp.int32),
        pltpu.VMEM((BPW,), jnp.int32),
        pltpu.VMEM((CHUNK, D), jnp.float32),
        pltpu.VMEM((CHUNK, D), jnp.float32),
        pltpu.VMEM((CHUNK, D), jnp.float32),
        pltpu.VMEM((CHUNK, D), jnp.float32),
        pltpu.VMEM((CHUNK, D), jnp.float32),
        pltpu.VMEM((CHUNK, D), jnp.float32),
        pltpu.VMEM((BPW,), jnp.float32),
        pltpu.SemaphoreType.DMA,
        pltpu.SemaphoreType.DMA,
    ],
    compiler_params=pltpu.CompilerParams(
        needs_layout_passes=False,
        disable_bounds_checks=True,
        disable_semaphore_checks=True,
        skip_device_barrier=True,
    ),
)
def _transe_sc(hidx_hbm, tidx_hbm, ridx_hbm, ent_hbm, rel_hbm, out_hbm,
               hidx_v, tidx_v, ridx_v, h0, t0, r0, h1, t1, r1, out_v,
               sem0, sem1):
    wid = lax.axis_index("s") * NC + lax.axis_index("c")
    base = wid * BPW
    pltpu.sync_copy(hidx_hbm.at[pl.ds(base, BPW)], hidx_v)
    pltpu.sync_copy(tidx_hbm.at[pl.ds(base, BPW)], tidx_v)
    pltpu.sync_copy(ridx_hbm.at[pl.ds(base, BPW)], ridx_v)

    bufs = ((h0, t0, r0), (h1, t1, r1))
    sems = (sem0, sem1)
    lanes = lax.iota(jnp.int32, L)
    U = 8

    def fire(chunk):
        o = chunk * CHUNK
        hb, tb, rb = bufs[chunk % 2]
        sem = sems[chunk % 2]
        return (
            pltpu.async_copy(ent_hbm.at[hidx_v.at[pl.ds(o, CHUNK)]], hb, sem),
            pltpu.async_copy(ent_hbm.at[tidx_v.at[pl.ds(o, CHUNK)]], tb, sem),
            pltpu.async_copy(rel_hbm.at[ridx_v.at[pl.ds(o, CHUNK)]], rb, sem),
        )

    pending = fire(0)
    for chunk in range(NCHUNK):
        for c in pending:
            c.wait()
        if chunk + 1 < NCHUNK:
            pending = fire(chunk + 1)
        h_buf, t_buf, r_buf = bufs[chunk % 2]
        o = chunk * CHUNK

        def group(g, _):
            rows = g * L + lanes
            zero = jnp.zeros((L,), jnp.float32)

            def body(jj, carry):
                hh, tt, hr, ht, rt, cols = carry
                for u in range(U):
                    cu = (cols + u) & (D - 1)
                    xh = plsc.load_gather(h_buf, [rows, cu])
                    xt = plsc.load_gather(t_buf, [rows, cu])
                    xr = plsc.load_gather(r_buf, [rows, cu])
                    hh = hh + xh * xh
                    tt = tt + xt * xt
                    hr = hr + xh * xr
                    ht = ht + xh * xt
                    rt = rt + xr * xt
                return hh, tt, hr, ht, rt, cols + U

            hh, tt, hr, ht, rt, _ = lax.fori_loop(
                0, D // U, body,
                (zero, zero, zero, zero, zero, lanes))

            inh = _rsqrt(jnp.maximum(hh, 1e-24))
            itn = _rsqrt(jnp.maximum(tt, 1e-24))
            s2 = (hh * inh * inh + tt * itn * itn + 1.0
                  + 2.0 * (hr * inh - ht * (inh * itn) - rt * itn))
            s2 = jnp.maximum(s2, 0.0)
            out_v[pl.ds(o + g * L, L)] = s2 * _rsqrt(jnp.maximum(s2, 1e-30))
            return 0

        lax.fori_loop(0, NG, group, 0)

    pltpu.sync_copy(out_v, out_hbm.at[pl.ds(base, BPW)])


def kernel(inp, ent_table, rel_table):
    inp = inp.astype(jnp.int32)
    hidx = inp[:, 0]
    tidx = inp[:, 1]
    ridx = inp[:, 2]
    return _transe_sc(hidx, tidx, ridx, ent_table, rel_table)

# --- scband reference (transcript-rebuilt; emitter-appended) ---
"""Pipeline reference for scband-trans-e-7696581394877 (READ-ONLY COPY).

The authoritative reference and input builder live on the scoring server;
editing this copy changes nothing except your own understanding.
"""

import jax, jax.numpy as jnp
import numpy as np

ENT_COUNT = 1000000
REL_COUNT = 1000000
DIM = 128


def _l2_normalize(x, eps=1e-12):
    n = jnp.sqrt(jnp.sum(x * x, axis=-1, keepdims=True))
    return x / jnp.maximum(n, eps)


def setup_inputs(seed: int = 0) -> dict:
    key = jax.random.key(seed)
    k1, k2, k3 = jax.random.split(key, 3)
    bound = 6.0 / (DIM ** 0.5)
    ent_table = jax.random.uniform(k1, (ENT_COUNT, DIM), dtype=jnp.float32, minval=-bound, maxval=bound)
    rel_table = jax.random.uniform(k2, (REL_COUNT, DIM), dtype=jnp.float32, minval=-bound, maxval=bound)
    # relation embeddings are L2-normalized once at init time in the torch module
    rel_table = _l2_normalize(rel_table)
    inp = jax.random.randint(k3, (16384, 3), 0, ENT_COUNT, dtype=jnp.int64 if jax.config.jax_enable_x64 else jnp.int32).astype(jnp.int32)
    return {"inp": inp, "ent_table": ent_table, "rel_table": rel_table}


def reference(inp, ent_table, rel_table):
    # forward normalizes the full entity table on every call (memory-bound full-table read)
    ent_n = _l2_normalize(ent_table)
    inp_t = jnp.transpose(inp, (1, 0))
    h = jnp.take(ent_n, inp_t[0], axis=0)
    t = jnp.take(ent_n, inp_t[1], axis=0)
    r = jnp.take(rel_table, inp_t[2], axis=0)
    score = h + r - t
    # torch.norm(score, p=2, dim=-1)
    return jnp.sqrt(jnp.sum(score * score, axis=-1))

if __name__ == "__main__":
    import jax
    _d = setup_inputs()
    print(jax.jit(kernel)(*tuple(_d.values())))

</pallas_src>

<mosaic_0001>
#map = affine_map<(d0, d1) -> (0)>
#map1 = affine_map<(d0, d1) -> (0, 0)>
module attributes {stable_mosaic.version = 14 : i64} {
  func.func @_transe_sc(%arg0: i32, %arg1: i32, %arg2: memref<16384xi32, #tpu.memory_space<hbm>>, %arg3: memref<16384xi32, #tpu.memory_space<hbm>>, %arg4: memref<16384xi32, #tpu.memory_space<hbm>>, %arg5: memref<1000000x128xf32, #tpu.memory_space<hbm>>, %arg6: memref<1000000x128xf32, #tpu.memory_space<hbm>>, %arg7: memref<16384xf32, #tpu.memory_space<hbm>>, %arg8: memref<512xi32, #tpu.memory_space<vmem>>, %arg9: memref<512xi32, #tpu.memory_space<vmem>>, %arg10: memref<512xi32, #tpu.memory_space<vmem>>, %arg11: memref<128x128xf32, #tpu.memory_space<vmem>>, %arg12: memref<128x128xf32, #tpu.memory_space<vmem>>, %arg13: memref<128x128xf32, #tpu.memory_space<vmem>>, %arg14: memref<128x128xf32, #tpu.memory_space<vmem>>, %arg15: memref<128x128xf32, #tpu.memory_space<vmem>>, %arg16: memref<128x128xf32, #tpu.memory_space<vmem>>, %arg17: memref<512xf32, #tpu.memory_space<vmem>>, %arg18: memref<!tpu.dma_semaphore, #tpu.memory_space<semaphore_mem>>, %arg19: memref<!tpu.dma_semaphore, #tpu.memory_space<semaphore_mem>>) attributes {dimension_semantics = [#tpu.dimension_semantics<core_parallel>, #tpu.dimension_semantics<subcore_parallel>], iteration_bounds = array<i64: 2, 16>, scalar_prefetch = 0 : i64, scratch_operands = 12 : i64, tpu.core_type = #tpu.core_type<sc_vector_subcore>, window_params = [{transform_indices = #map}, {transform_indices = #map}, {transform_indices = #map}, {transform_indices = #map1}, {transform_indices = #map1}, {transform_indices = #map}]} {
    %mul3A = arith.constant 2 : i32
    %mul3A_0 = arith.muli %arg1, %mul3A : i32
    %add3A = arith.addi %mul3A_0, %arg0 : i32
    %mul3A_1 = arith.constant 512 : i32
    %mul3A_2 = arith.muli %add3A, %mul3A_1 : i32
    "tpu.region"() ({
      %run_scoped3A = tpu.sem_alloc : memref<!tpu.dma_semaphore, #tpu.memory_space<semaphore_mem>>
      %dma_start3A_148 = tpu.memref_slice %arg2[%mul3A_2] : memref<16384xi32, #tpu.memory_space<hbm>> -> memref<512xi32, #tpu.memory_space<hbm>>
      %dma_start3A_149 = tpu.memref_slice %arg2[%mul3A_2] : memref<16384xi32, #tpu.memory_space<hbm>> -> memref<512xi32, #tpu.memory_space<hbm>>
      tpu.enqueue_dma source(%dma_start3A_149 : memref<512xi32, #tpu.memory_space<hbm>>) target(%arg8 : memref<512xi32, #tpu.memory_space<vmem>>) target_semaphore(%run_scoped3A : memref<!tpu.dma_semaphore, #tpu.memory_space<semaphore_mem>>)
      %dma_wait3A_150 = tpu.memref_slice %arg2[%mul3A_2] : memref<16384xi32, #tpu.memory_space<hbm>> -> memref<512xi32, #tpu.memory_space<hbm>>
      %dma_wait3A_151 = tpu.memref_slice %arg2[%mul3A_2] : memref<16384xi32, #tpu.memory_space<hbm>> -> memref<512xi32, #tpu.memory_space<hbm>>
      tpu.wait_dma2 semaphore(%run_scoped3A : memref<!tpu.dma_semaphore, #tpu.memory_space<semaphore_mem>>) src(%dma_wait3A_151 : memref<512xi32, #tpu.memory_space<hbm>>) dst(%arg8 : memref<512xi32, #tpu.memory_space<vmem>>)
      tpu.yield
    }) : () -> ()
    "tpu.region"() ({
      %run_scoped3A = tpu.sem_alloc : memref<!tpu.dma_semaphore, #tpu.memory_space<semaphore_mem>>
      %dma_start3A_148 = tpu.memref_slice %arg3[%mul3A_2] : memref<16384xi32, #tpu.memory_space<hbm>> -> memref<512xi32, #tpu.memory_space<hbm>>
      %dma_start3A_149 = tpu.memref_slice %arg3[%mul3A_2] : memref<16384xi32, #tpu.memory_space<hbm>> -> memref<512xi32, #tpu.memory_space<hbm>>
      tpu.enqueue_dma source(%dma_start3A_149 : memref<512xi32, #tpu.memory_space<hbm>>) target(%arg9 : memref<512xi32, #tpu.memory_space<vmem>>) target_semaphore(%run_scoped3A : memref<!tpu.dma_semaphore, #tpu.memory_space<semaphore_mem>>)
      %dma_wait3A_150 = tpu.memref_slice %arg3[%mul3A_2] : memref<16384xi32, #tpu.memory_space<hbm>> -> memref<512xi32, #tpu.memory_space<hbm>>
      %dma_wait3A_151 = tpu.memref_slice %arg3[%mul3A_2] : memref<16384xi32, #tpu.memory_space<hbm>> -> memref<512xi32, #tpu.memory_space<hbm>>
      tpu.wait_dma2 semaphore(%run_scoped3A : memref<!tpu.dma_semaphore, #tpu.memory_space<semaphore_mem>>) src(%dma_wait3A_151 : memref<512xi32, #tpu.memory_space<hbm>>) dst(%arg9 : memref<512xi32, #tpu.memory_space<vmem>>)
      tpu.yield
    }) : () -> ()
    "tpu.region"() ({
      %run_scoped3A = tpu.sem_alloc : memref<!tpu.dma_semaphore, #tpu.memory_space<semaphore_mem>>
      %dma_start3A_148 = tpu.memref_slice %arg4[%mul3A_2] : memref<16384xi32, #tpu.memory_space<hbm>> -> memref<512xi32, #tpu.memory_space<hbm>>
      %dma_start3A_149 = tpu.memref_slice %arg4[%mul3A_2] : memref<16384xi32, #tpu.memory_space<hbm>> -> memref<512xi32, #tpu.memory_space<hbm>>
      tpu.enqueue_dma source(%dma_start3A_149 : memref<512xi32, #tpu.memory_space<hbm>>) target(%arg10 : memref<512xi32, #tpu.memory_space<vmem>>) target_semaphore(%run_scoped3A : memref<!tpu.dma_semaphore, #tpu.memory_space<semaphore_mem>>)
      %dma_wait3A_150 = tpu.memref_slice %arg4[%mul3A_2] : memref<16384xi32, #tpu.memory_space<hbm>> -> memref<512xi32, #tpu.memory_space<hbm>>
      %dma_wait3A_151 = tpu.memref_slice %arg4[%mul3A_2] : memref<16384xi32, #tpu.memory_space<hbm>> -> memref<512xi32, #tpu.memory_space<hbm>>
      tpu.wait_dma2 semaphore(%run_scoped3A : memref<!tpu.dma_semaphore, #tpu.memory_space<semaphore_mem>>) src(%dma_wait3A_151 : memref<512xi32, #tpu.memory_space<hbm>>) dst(%arg10 : memref<512xi32, #tpu.memory_space<vmem>>)
      tpu.yield
    }) : () -> ()
    %iota3A = tpu.iota {dimensions = array<i32: 0>} : vector<16xi32>
    %dma_start3A = arith.constant 0 : i32
    %dma_start3A_3 = tpu.memref_slice %arg8[%dma_start3A] : memref<512xi32, #tpu.memory_space<vmem>> -> memref<128xi32, #tpu.memory_space<vmem>>
    %dma_start3A_4 = arith.constant 0 : i32
    %dma_start3A_5 = arith.constant 0 : i32
    %dma_start3A_6 = tpu.memref_slice %arg5[%dma_start3A_4, %dma_start3A_5] : memref<1000000x128xf32, #tpu.memory_space<hbm>> -> memref<1000000x128xf32, #tpu.memory_space<hbm>>
    tpu.enqueue_indirect_dma source(%dma_start3A_6 : memref<1000000x128xf32, #tpu.memory_space<hbm>>) target(%arg11 : memref<128x128xf32, #tpu.memory_space<vmem>>) offsets(%dma_start3A_3 : memref<128xi32, #tpu.memory_space<vmem>>) semaphore(%arg18 : memref<!tpu.dma_semaphore, #tpu.memory_space<semaphore_mem>>)
    %dma_start3A_7 = arith.constant 0 : i32
    %dma_start3A_8 = tpu.memref_slice %arg9[%dma_start3A_7] : memref<512xi32, #tpu.memory_space<vmem>> -> memref<128xi32, #tpu.memory_space<vmem>>
    %dma_start3A_9 = arith.constant 0 : i32
    %dma_start3A_10 = arith.constant 0 : i32
    %dma_start3A_11 = tpu.memref_slice %arg5[%dma_start3A_9, %dma_start3A_10] : memref<1000000x128xf32, #tpu.memory_space<hbm>> -> memref<1000000x128xf32, #tpu.memory_space<hbm>>
    tpu.enqueue_indirect_dma source(%dma_start3A_11 : memref<1000000x128xf32, #tpu.memory_space<hbm>>) target(%arg12 : memref<128x128xf32, #tpu.memory_space<vmem>>) offsets(%dma_start3A_8 : memref<128xi32, #tpu.memory_space<vmem>>) semaphore(%arg18 : memref<!tpu.dma_semaphore, #tpu.memory_space<semaphore_mem>>)
    %dma_start3A_12 = arith.constant 0 : i32
    %dma_start3A_13 = tpu.memref_slice %arg10[%dma_start3A_12] : memref<512xi32, #tpu.memory_space<vmem>> -> memref<128xi32, #tpu.memory_space<vmem>>
    %dma_start3A_14 = arith.constant 0 : i32
    %dma_start3A_15 = arith.constant 0 : i32
    %dma_start3A_16 = tpu.memref_slice %arg6[%dma_start3A_14, %dma_start3A_15] : memref<1000000x128xf32, #tpu.memory_space<hbm>> -> memref<1000000x128xf32, #tpu.memory_space<hbm>>
    tpu.enqueue_indirect_dma source(%dma_start3A_16 : memref<1000000x128xf32, #tpu.memory_space<hbm>>) target(%arg13 : memref<128x128xf32, #tpu.memory_space<vmem>>) offsets(%dma_start3A_13 : memref<128xi32, #tpu.memory_space<vmem>>) semaphore(%arg18 : memref<!tpu.dma_semaphore, #tpu.memory_space<semaphore_mem>>)
    %dma_wait3A = arith.constant 0 : i32
    %dma_wait3A_17 = tpu.memref_slice %arg8[%dma_wait3A] : memref<512xi32, #tpu.memory_space<vmem>> -> memref<128xi32, #tpu.memory_space<vmem>>
    %dma_wait3A_18 = arith.constant 0 : i32
    %dma_wait3A_19 = arith.constant 0 : i32
    %dma_wait3A_20 = tpu.memref_slice %arg5[%dma_wait3A_18, %dma_wait3A_19] : memref<1000000x128xf32, #tpu.memory_space<hbm>> -> memref<1000000x128xf32, #tpu.memory_space<hbm>>
    tpu.wait_indirect_dma semaphore(%arg18 : memref<!tpu.dma_semaphore, #tpu.memory_space<semaphore_mem>>) src(%dma_wait3A_20 : memref<1000000x128xf32, #tpu.memory_space<hbm>>) dst(%arg11 : memref<128x128xf32, #tpu.memory_space<vmem>>)
    %dma_wait3A_21 = arith.constant 0 : i32
    %dma_wait3A_22 = tpu.memref_slice %arg9[%dma_wait3A_21] : memref<512xi32, #tpu.memory_space<vmem>> -> memref<128xi32, #tpu.memory_space<vmem>>
    %dma_wait3A_23 = arith.constant 0 : i32
    %dma_wait3A_24 = arith.constant 0 : i32
    %dma_wait3A_25 = tpu.memref_slice %arg5[%dma_wait3A_23, %dma_wait3A_24] : memref<1000000x128xf32, #tpu.memory_space<hbm>> -> memref<1000000x128xf32, #tpu.memory_space<hbm>>
    tpu.wait_indirect_dma semaphore(%arg18 : memref<!tpu.dma_semaphore, #tpu.memory_space<semaphore_mem>>) src(%dma_wait3A_25 : memref<1000000x128xf32, #tpu.memory_space<hbm>>) dst(%arg12 : memref<128x128xf32, #tpu.memory_space<vmem>>)
    %dma_wait3A_26 = arith.constant 0 : i32
    %dma_wait3A_27 = tpu.memref_slice %arg10[%dma_wait3A_26] : memref<512xi32, #tpu.memory_space<vmem>> -> memref<128xi32, #tpu.memory_space<vmem>>
    %dma_wait3A_28 = arith.constant 0 : i32
    %dma_wait3A_29 = arith.constant 0 : i32
    %dma_wait3A_30 = tpu.memref_slice %arg6[%dma_wait3A_28, %dma_wait3A_29] : memref<1000000x128xf32, #tpu.memory_space<hbm>> -> memref<1000000x128xf32, #tpu.memory_space<hbm>>
    tpu.wait_indirect_dma semaphore(%arg18 : memref<!tpu.dma_semaphore, #tpu.memory_space<semaphore_mem>>) src(%dma_wait3A_30 : memref<1000000x128xf32, #tpu.memory_space<hbm>>) dst(%arg13 : memref<128x128xf32, #tpu.memory_space<vmem>>)
    %dma_start3A_31 = arith.constant 128 : i32
    %dma_start3A_32 = tpu.memref_slice %arg8[%dma_start3A_31] : memref<512xi32, #tpu.memory_space<vmem>> -> memref<128xi32, #tpu.memory_space<vmem>>
    %dma_start3A_33 = arith.constant 0 : i32
    %dma_start3A_34 = arith.constant 0 : i32
    %dma_start3A_35 = tpu.memref_slice %arg5[%dma_start3A_33, %dma_start3A_34] : memref<1000000x128xf32, #tpu.memory_space<hbm>> -> memref<1000000x128xf32, #tpu.memory_space<hbm>>
    tpu.enqueue_indirect_dma source(%dma_start3A_35 : memref<1000000x128xf32, #tpu.memory_space<hbm>>) target(%arg14 : memref<128x128xf32, #tpu.memory_space<vmem>>) offsets(%dma_start3A_32 : memref<128xi32, #tpu.memory_space<vmem>>) semaphore(%arg19 : memref<!tpu.dma_semaphore, #tpu.memory_space<semaphore_mem>>)
    %dma_start3A_36 = arith.constant 128 : i32
    %dma_start3A_37 = tpu.memref_slice %arg9[%dma_start3A_36] : memref<512xi32, #tpu.memory_space<vmem>> -> memref<128xi32, #tpu.memory_space<vmem>>
    %dma_start3A_38 = arith.constant 0 : i32
    %dma_start3A_39 = arith.constant 0 : i32
    %dma_start3A_40 = tpu.memref_slice %arg5[%dma_start3A_38, %dma_start3A_39] : memref<1000000x128xf32, #tpu.memory_space<hbm>> -> memref<1000000x128xf32, #tpu.memory_space<hbm>>
    tpu.enqueue_indirect_dma source(%dma_start3A_40 : memref<1000000x128xf32, #tpu.memory_space<hbm>>) target(%arg15 : memref<128x128xf32, #tpu.memory_space<vmem>>) offsets(%dma_start3A_37 : memref<128xi32, #tpu.memory_space<vmem>>) semaphore(%arg19 : memref<!tpu.dma_semaphore, #tpu.memory_space<semaphore_mem>>)
    %dma_start3A_41 = arith.constant 128 : i32
    %dma_start3A_42 = tpu.memref_slice %arg10[%dma_start3A_41] : memref<512xi32, #tpu.memory_space<vmem>> -> memref<128xi32, #tpu.memory_space<vmem>>
    %dma_start3A_43 = arith.constant 0 : i32
    %dma_start3A_44 = arith.constant 0 : i32
    %dma_start3A_45 = tpu.memref_slice %arg6[%dma_start3A_43, %dma_start3A_44] : memref<1000000x128xf32, #tpu.memory_space<hbm>> -> memref<1000000x128xf32, #tpu.memory_space<hbm>>
    tpu.enqueue_indirect_dma source(%dma_start3A_45 : memref<1000000x128xf32, #tpu.memory_space<hbm>>) target(%arg16 : memref<128x128xf32, #tpu.memory_space<vmem>>) offsets(%dma_start3A_42 : memref<128xi32, #tpu.memory_space<vmem>>) semaphore(%arg19 : memref<!tpu.dma_semaphore, #tpu.memory_space<semaphore_mem>>)
    %scan3A = arith.constant 0 : i32
    %scan3A_46 = arith.constant 0 : i32
    %scan3A_47 = arith.constant 8 : i32
    %scan3A_48 = arith.addi %scan3A_46, %scan3A_47 : i32
    %scan3A_49 = arith.constant 1 : i32
    %scan3A_50 = scf.for %scan3A_148 = %scan3A_46 to %scan3A_48 step %scan3A_49 iter_args(%scan3A_149 = %scan3A) -> (i32)  : i32 {
      %mul3A_150 = arith.constant 16 : i32
      %mul3A_151 = arith.muli %scan3A_148, %mul3A_150 : i32
      %add3A_152 = vector.broadcast %mul3A_151 : i32 to vector<16xi32>
      %add3A_153 = arith.addi %add3A_152, %iota3A : vector<16xi32>
      %broadcast_in_dim3A = arith.constant 0.000000e+00 : f32
      %broadcast_in_dim3A_154 = vector.broadcast %broadcast_in_dim3A : f32 to vector<16xf32>
      %scan3A_155 = arith.constant 0 : i32
      %scan3A_156 = arith.constant 16 : i32
      %scan3A_157 = arith.addi %scan3A_155, %scan3A_156 : i32
      %scan3A_158 = arith.constant 1 : i32
      %scan3A_159:6 = scf.for %scan3A_299 = %scan3A_155 to %scan3A_157 step %scan3A_158 iter_args(%scan3A_300 = %broadcast_in_dim3A_154, %scan3A_301 = %broadcast_in_dim3A_154, %scan3A_302 = %broadcast_in_dim3A_154, %scan3A_303 = %broadcast_in_dim3A_154, %scan3A_304 = %broadcast_in_dim3A_154, %scan3A_305 = %iota3A) -> (vector<16xf32>, vector<16xf32>, vector<16xf32>, vector<16xf32>, vector<16xf32>, vector<16xi32>)  : i32 {
        %add3A_306 = arith.constant 0 : i32
        %add3A_307 = vector.broadcast %add3A_306 : i32 to vector<16xi32>
        %add3A_308 = arith.addi %scan3A_305, %add3A_307 : vector<16xi32>
        %and3A = arith.constant 127 : i32
        %and3A_309 = vector.broadcast %and3A : i32 to vector<16xi32>
        %and3A_310 = arith.andi %add3A_308, %and3A_309 : vector<16xi32>
        %gather3A = tpu.vector_load_idx %arg11[%add3A_153, %and3A_310] : memref<128x128xf32, #tpu.memory_space<vmem>>[vector<16xi32>, vector<16xi32>], vector<16xf32>,
        %gather3A_311 = tpu.vector_load_idx %arg12[%add3A_153, %and3A_310] : memref<128x128xf32, #tpu.memory_space<vmem>>[vector<16xi32>, vector<16xi32>], vector<16xf32>,
        %gather3A_312 = tpu.vector_load_idx %arg13[%add3A_153, %and3A_310] : memref<128x128xf32, #tpu.memory_space<vmem>>[vector<16xi32>, vector<16xi32>], vector<16xf32>,
        %mul3A_313 = arith.mulf %gather3A, %gather3A : vector<16xf32>
        %add3A_314 = arith.addf %scan3A_300, %mul3A_313 : vector<16xf32>
        %mul3A_315 = arith.mulf %gather3A_311, %gather3A_311 : vector<16xf32>
        %add3A_316 = arith.addf %scan3A_301, %mul3A_315 : vector<16xf32>
        %mul3A_317 = arith.mulf %gather3A, %gather3A_312 : vector<16xf32>
        %add3A_318 = arith.addf %scan3A_302, %mul3A_317 : vector<16xf32>
        %mul3A_319 = arith.mulf %gather3A, %gather3A_311 : vector<16xf32>
        %add3A_320 = arith.addf %scan3A_303, %mul3A_319 : vector<16xf32>
        %mul3A_321 = arith.mulf %gather3A_312, %gather3A_311 : vector<16xf32>
        %add3A_322 = arith.addf %scan3A_304, %mul3A_321 : vector<16xf32>
        %add3A_323 = arith.constant 1 : i32
        %add3A_324 = vector.broadcast %add3A_323 : i32 to vector<16xi32>
        %add3A_325 = arith.addi %scan3A_305, %add3A_324 : vector<16xi32>
        %and3A_326 = arith.constant 127 : i32
        %and3A_327 = vector.broadcast %and3A_326 : i32 to vector<16xi32>
        %and3A_328 = arith.andi %add3A_325, %and3A_327 : vector<16xi32>
        %gather3A_329 = tpu.vector_load_idx %arg11[%add3A_153, %and3A_328] : memref<128x128xf32, #tpu.memory_space<vmem>>[vector<16xi32>, vector<16xi32>], vector<16xf32>,
        %gather3A_330 = tpu.vector_load_idx %arg12[%add3A_153, %and3A_328] : memref<128x128xf32, #tpu.memory_space<vmem>>[vector<16xi32>, vector<16xi32>], vector<16xf32>,
        %gather3A_331 = tpu.vector_load_idx %arg13[%add3A_153, %and3A_328] : memref<128x128xf32, #tpu.memory_space<vmem>>[vector<16xi32>, vector<16xi32>], vector<16xf32>,
        %mul3A_332 = arith.mulf %gather3A_329, %gather3A_329 : vector<16xf32>
        %add3A_333 = arith.addf %add3A_314, %mul3A_332 : vector<16xf32>
        %mul3A_334 = arith.mulf %gather3A_330, %gather3A_330 : vector<16xf32>
        %add3A_335 = arith.addf %add3A_316, %mul3A_334 : vector<16xf32>
        %mul3A_336 = arith.mulf %gather3A_329, %gather3A_331 : vector<16xf32>
        %add3A_337 = arith.addf %add3A_318, %mul3A_336 : vector<16xf32>
        %mul3A_338 = arith.mulf %gather3A_329, %gather3A_330 : vector<16xf32>
        %add3A_339 = arith.addf %add3A_320, %mul3A_338 : vector<16xf32>
        %mul3A_340 = arith.mulf %gather3A_331, %gather3A_330 : vector<16xf32>
        %add3A_341 = arith.addf %add3A_322, %mul3A_340 : vector<16xf32>
        %add3A_342 = arith.constant 2 : i32
        %add3A_343 = vector.broadcast %add3A_342 : i32 to vector<16xi32>
        %add3A_344 = arith.addi %scan3A_305, %add3A_343 : vector<16xi32>
        %and3A_345 = arith.constant 127 : i32
        %and3A_346 = vector.broadcast %and3A_345 : i32 to vector<16xi32>
        %and3A_347 = arith.andi %add3A_344, %and3A_346 : vector<16xi32>
        %gather3A_348 = tpu.vector_load_idx %arg11[%add3A_153, %and3A_347] : memref<128x128xf32, #tpu.memory_space<vmem>>[vector<16xi32>, vector<16xi32>], vector<16xf32>,
        %gather3A_349 = tpu.vector_load_idx %arg12[%add3A_153, %and3A_347] : memref<128x128xf32, #tpu.memory_space<vmem>>[vector<16xi32>, vector<16xi32>], vector<16xf32>,
        %gather3A_350 = tpu.vector_load_idx %arg13[%add3A_153, %and3A_347] : memref<128x128xf32, #tpu.memory_space<vmem>>[vector<16xi32>, vector<16xi32>], vector<16xf32>,
        %mul3A_351 = arith.mulf %gather3A_348, %gather3A_348 : vector<16xf32>
        %add3A_352 = arith.addf %add3A_333, %mul3A_351 : vector<16xf32>
        %mul3A_353 = arith.mulf %gather3A_349, %gather3A_349 : vector<16xf32>
        %add3A_354 = arith.addf %add3A_335, %mul3A_353 : vector<16xf32>
        %mul3A_355 = arith.mulf %gather3A_348, %gather3A_350 : vector<16xf32>
        %add3A_356 = arith.addf %add3A_337, %mul3A_355 : vector<16xf32>
        %mul3A_357 = arith.mulf %gather3A_348, %gather3A_349 : vector<16xf32>
        %add3A_358 = arith.addf %add3A_339, %mul3A_357 : vector<16xf32>
        %mul3A_359 = arith.mulf %gather3A_350, %gather3A_349 : vector<16xf32>
        %add3A_360 = arith.addf %add3A_341, %mul3A_359 : vector<16xf32>
        %add3A_361 = arith.constant 3 : i32
        %add3A_362 = vector.broadcast %add3A_361 : i32 to vector<16xi32>
        %add3A_363 = arith.addi %scan3A_305, %add3A_362 : vector<16xi32>
        %and3A_364 = arith.constant 127 : i32
        %and3A_365 = vector.broadcast %and3A_364 : i32 to vector<16xi32>
        %and3A_366 = arith.andi %add3A_363, %and3A_365 : vector<16xi32>
        %gather3A_367 = tpu.vector_load_idx %arg11[%add3A_153, %and3A_366] : memref<128x128xf32, #tpu.memory_space<vmem>>[vector<16xi32>, vector<16xi32>], vector<16xf32>,
        %gather3A_368 = tpu.vector_load_idx %arg12[%add3A_153, %and3A_366] : memref<128x128xf32, #tpu.memory_space<vmem>>[vector<16xi32>, vector<16xi32>], vector<16xf32>,
        %gather3A_369 = tpu.vector_load_idx %arg13[%add3A_153, %and3A_366] : memref<128x128xf32, #tpu.memory_space<vmem>>[vector<16xi32>, vector<16xi32>], vector<16xf32>,
        %mul3A_370 = arith.mulf %gather3A_367, %gather3A_367 : vector<16xf32>
        %add3A_371 = arith.addf %add3A_352, %mul3A_370 : vector<16xf32>
        %mul3A_372 = arith.mulf %gather3A_368, %gather3A_368 : vector<16xf32>
        %add3A_373 = arith.addf %add3A_354, %mul3A_372 : vector<16xf32>
        %mul3A_374 = arith.mulf %gather3A_367, %gather3A_369 : vector<16xf32>
        %add3A_375 = arith.addf %add3A_356, %mul3A_374 : vector<16xf32>
        %mul3A_376 = arith.mulf %gather3A_367, %gather3A_368 : vector<16xf32>
        %add3A_377 = arith.addf %add3A_358, %mul3A_376 : vector<16xf32>
        %mul3A_378 = arith.mulf %gather3A_369, %gather3A_368 : vector<16xf32>
        %add3A_379 = arith.addf %add3A_360, %mul3A_378 : vector<16xf32>
        %add3A_380 = arith.constant 4 : i32
        %add3A_381 = vector.broadcast %add3A_380 : i32 to vector<16xi32>
        %add3A_382 = arith.addi %scan3A_305, %add3A_381 : vector<16xi32>
        %and3A_383 = arith.constant 127 : i32
        %and3A_384 = vector.broadcast %and3A_383 : i32 to vector<16xi32>
        %and3A_385 = arith.andi %add3A_382, %and3A_384 : vector<16xi32>
        %gather3A_386 = tpu.vector_load_idx %arg11[%add3A_153, %and3A_385] : memref<128x128xf32, #tpu.memory_space<vmem>>[vector<16xi32>, vector<16xi32>], vector<16xf32>,
        %gather3A_387 = tpu.vector_load_idx %arg12[%add3A_153, %and3A_385] : memref<128x128xf32, #tpu.memory_space<vmem>>[vector<16xi32>, vector<16xi32>], vector<16xf32>,
        %gather3A_388 = tpu.vector_load_idx %arg13[%add3A_153, %and3A_385] : memref<128x128xf32, #tpu.memory_space<vmem>>[vector<16xi32>, vector<16xi32>], vector<16xf32>,
        %mul3A_389 = arith.mulf %gather3A_386, %gather3A_386 : vector<16xf32>
        %add3A_390 = arith.addf %add3A_371, %mul3A_389 : vector<16xf32>
        %mul3A_391 = arith.mulf %gather3A_387, %gather3A_387 : vector<16xf32>
        %add3A_392 = arith.addf %add3A_373, %mul3A_391 : vector<16xf32>
        %mul3A_393 = arith.mulf %gather3A_386, %gather3A_388 : vector<16xf32>
        %add3A_394 = arith.addf %add3A_375, %mul3A_393 : vector<16xf32>
        %mul3A_395 = arith.mulf %gather3A_386, %gather3A_387 : vector<16xf32>
        %add3A_396 = arith.addf %add3A_377, %mul3A_395 : vector<16xf32>
        %mul3A_397 = arith.mulf %gather3A_388, %gather3A_387 : vector<16xf32>
        %add3A_398 = arith.addf %add3A_379, %mul3A_397 : vector<16xf32>
        %add3A_399 = arith.constant 5 : i32
        %add3A_400 = vector.broadcast %add3A_399 : i32 to vector<16xi32>
        %add3A_401 = arith.addi %scan3A_305, %add3A_400 : vector<16xi32>
        %and3A_402 = arith.constant 127 : i32
        %and3A_403 = vector.broadcast %and3A_402 : i32 to vector<16xi32>
        %and3A_404 = arith.andi %add3A_401, %and3A_403 : vector<16xi32>
        %gather3A_405 = tpu.vector_load_idx %arg11[%add3A_153, %and3A_404] : memref<128x128xf32, #tpu.memory_space<vmem>>[vector<16xi32>, vector<16xi32>], vector<16xf32>,
        %gather3A_406 = tpu.vector_load_idx %arg12[%add3A_153, %and3A_404] : memref<128x128xf32, #tpu.memory_space<vmem>>[vector<16xi32>, vector<16xi32>], vector<16xf32>,
        %gather3A_407 = tpu.vector_load_idx %arg13[%add3A_153, %and3A_404] : memref<128x128xf32, #tpu.memory_space<vmem>>[vector<16xi32>, vector<16xi32>], vector<16xf32>,
        %mul3A_408 = arith.mulf %gather3A_405, %gather3A_405 : vector<16xf32>
        %add3A_409 = arith.addf %add3A_390, %mul3A_408 : vector<16xf32>
        %mul3A_410 = arith.mulf %gather3A_406, %gather3A_406 : vector<16xf32>
        %add3A_411 = arith.addf %add3A_392, %mul3A_410 : vector<16xf32>
        %mul3A_412 = arith.mulf %gather3A_405, %gather3A_407 : vector<16xf32>
        %add3A_413 = arith.addf %add3A_394, %mul3A_412 : vector<16xf32>
        %mul3A_414 = arith.mulf %gather3A_405, %gather3A_406 : vector<16xf32>
        %add3A_415 = arith.addf %add3A_396, %mul3A_414 : vector<16xf32>
        %mul3A_416 = arith.mulf %gather3A_407, %gather3A_406 : vector<16xf32>
        %add3A_417 = arith.addf %add3A_398, %mul3A_416 : vector<16xf32>
        %add3A_418 = arith.constant 6 : i32
        %add3A_419 = vector.broadcast %add3A_418 : i32 to vector<16xi32>
        %add3A_420 = arith.addi %scan3A_305, %add3A_419 : vector<16xi32>
        %and3A_421 = arith.constant 127 : i32
        %and3A_422 = vector.broadcast %and3A_421 : i32 to vector<16xi32>
        %and3A_423 = arith.andi %add3A_420, %and3A_422 : vector<16xi32>
        %gather3A_424 = tpu.vector_load_idx %arg11[%add3A_153, %and3A_423] : memref<128x128xf32, #tpu.memory_space<vmem>>[vector<16xi32>, vector<16xi32>], vector<16xf32>,
        %gather3A_425 = tpu.vector_load_idx %arg12[%add3A_153, %and3A_423] : memref<128x128xf32, #tpu.memory_space<vmem>>[vector<16xi32>, vector<16xi32>], vector<16xf32>,
        %gather3A_426 = tpu.vector_load_idx %arg13[%add3A_153, %and3A_423] : memref<128x128xf32, #tpu.memory_space<vmem>>[vector<16xi32>, vector<16xi32>], vector<16xf32>,
        %mul3A_427 = arith.mulf %gather3A_424, %gather3A_424 : vector<16xf32>
        %add3A_428 = arith.addf %add3A_409, %mul3A_427 : vector<16xf32>
        %mul3A_429 = arith.mulf %gather3A_425, %gather3A_425 : vector<16xf32>
        %add3A_430 = arith.addf %add3A_411, %mul3A_429 : vector<16xf32>
        %mul3A_431 = arith.mulf %gather3A_424, %gather3A_426 : vector<16xf32>
        %add3A_432 = arith.addf %add3A_413, %mul3A_431 : vector<16xf32>
        %mul3A_433 = arith.mulf %gather3A_424, %gather3A_425 : vector<16xf32>
        %add3A_434 = arith.addf %add3A_415, %mul3A_433 : vector<16xf32>
        %mul3A_435 = arith.mulf %gather3A_426, %gather3A_425 : vector<16xf32>
        %add3A_436 = arith.addf %add3A_417, %mul3A_435 : vector<16xf32>
        %add3A_437 = arith.constant 7 : i32
        %add3A_438 = vector.broadcast %add3A_437 : i32 to vector<16xi32>
        %add3A_439 = arith.addi %scan3A_305, %add3A_438 : vector<16xi32>
        %and3A_440 = arith.constant 127 : i32
        %and3A_441 = vector.broadcast %and3A_440 : i32 to vector<16xi32>
        %and3A_442 = arith.andi %add3A_439, %and3A_441 : vector<16xi32>
        %gather3A_443 = tpu.vector_load_idx %arg11[%add3A_153, %and3A_442] : memref<128x128xf32, #tpu.memory_space<vmem>>[vector<16xi32>, vector<16xi32>], vector<16xf32>,
        %gather3A_444 = tpu.vector_load_idx %arg12[%add3A_153, %and3A_442] : memref<128x128xf32, #tpu.memory_space<vmem>>[vector<16xi32>, vector<16xi32>], vector<16xf32>,
        %gather3A_445 = tpu.vector_load_idx %arg13[%add3A_153, %and3A_442] : memref<128x128xf32, #tpu.memory_space<vmem>>[vector<16xi32>, vector<16xi32>], vector<16xf32>,
        %mul3A_446 = arith.mulf %gather3A_443, %gather3A_443 : vector<16xf32>
        %add3A_447 = arith.addf %add3A_428, %mul3A_446 : vector<16xf32>
        %mul3A_448 = arith.mulf %gather3A_444, %gather3A_444 : vector<16xf32>
        %add3A_449 = arith.addf %add3A_430, %mul3A_448 : vector<16xf32>
        %mul3A_450 = arith.mulf %gather3A_443, %gather3A_445 : vector<16xf32>
        %add3A_451 = arith.addf %add3A_432, %mul3A_450 : vector<16xf32>
        %mul3A_452 = arith.mulf %gather3A_443, %gather3A_444 : vector<16xf32>
        %add3A_453 = arith.addf %add3A_434, %mul3A_452 : vector<16xf32>
        %mul3A_454 = arith.mulf %gather3A_445, %gather3A_444 : vector<16xf32>
        %add3A_455 = arith.addf %add3A_436, %mul3A_454 : vector<16xf32>
        %add3A_456 = arith.constant 8 : i32
        %add3A_457 = vector.broadcast %add3A_456 : i32 to vector<16xi32>
        %add3A_458 = arith.addi %scan3A_305, %add3A_457 : vector<16xi32>
        scf.yield %add3A_447, %add3A_449, %add3A_451, %add3A_453, %add3A_455, %add3A_458 : vector<16xf32>, vector<16xf32>, vector<16xf32>, vector<16xf32>, vector<16xf32>, vector<16xi32>
      }
      %scan3A_160 = arith.constant 16 : i32
      %max3A = arith.constant 1.000000e-24 : f32
      %max3A_161 = vector.broadcast %max3A : f32 to vector<16xf32>
      %max3A_162 = arith.maximumf %scan3A_159#0, %max3A_161 : vector<16xf32>
      %bitcast3A = vector.bitcast %max3A_162 : vector<16xf32> to vector<16xi32>
      %broadcast_in_dim3A_163 = arith.constant 1597463007 : i32
      %broadcast_in_dim3A_164 = vector.broadcast %broadcast_in_dim3A_163 : i32 to vector<16xi32>
      %shift_right_arithmetic3A = arith.constant 1 : i32
      %shift_right_arithmetic3A_165 = vector.broadcast %shift_right_arithmetic3A : i32 to vector<16xi32>
      %shift_right_arithmetic3A_166 = arith.shrsi %bitcast3A, %shift_right_arithmetic3A_165 : vector<16xi32>
      %sub3A = arith.subi %broadcast_in_dim3A_164, %shift_right_arithmetic3A_166 : vector<16xi32>
      %bitcast3A_167 = vector.bitcast %sub3A : vector<16xi32> to vector<16xf32>
      %mul3A_168 = arith.constant 5.000000e-01 : f32
      %mul3A_169 = vector.broadcast %mul3A_168 : f32 to vector<16xf32>
      %mul3A_170 = arith.mulf %mul3A_169, %max3A_162 : vector<16xf32>
      %mul3A_171 = arith.mulf %mul3A_170, %bitcast3A_167 : vector<16xf32>
      %mul3A_172 = arith.mulf %mul3A_171, %bitcast3A_167 : vector<16xf32>
      %sub3A_173 = arith.constant 1.500000e+00 : f32
      %sub3A_174 = vector.broadcast %sub3A_173 : f32 to vector<16xf32>
      %sub3A_175 = arith.subf %sub3A_174, %mul3A_172 : vector<16xf32>
      %mul3A_176 = arith.mulf %bitcast3A_167, %sub3A_175 : vector<16xf32>
      %mul3A_177 = arith.constant 5.000000e-01 : f32
      %mul3A_178 = vector.broadcast %mul3A_177 : f32 to vector<16xf32>
      %mul3A_179 = arith.mulf %mul3A_178, %max3A_162 : vector<16xf32>
      %mul3A_180 = arith.mulf %mul3A_179, %mul3A_176 : vector<16xf32>
      %mul3A_181 = arith.mulf %mul3A_180, %mul3A_176 : vector<16xf32>
      %sub3A_182 = arith.constant 1.500000e+00 : f32
      %sub3A_183 = vector.broadcast %sub3A_182 : f32 to vector<16xf32>
      %sub3A_184 = arith.subf %sub3A_183, %mul3A_181 : vector<16xf32>
      %mul3A_185 = arith.mulf %mul3A_176, %sub3A_184 : vector<16xf32>
      %mul3A_186 = arith.constant 5.000000e-01 : f32
      %mul3A_187 = vector.broadcast %mul3A_186 : f32 to vector<16xf32>
      %mul3A_188 = arith.mulf %mul3A_187, %max3A_162 : vector<16xf32>
      %mul3A_189 = arith.mulf %mul3A_188, %mul3A_185 : vector<16xf32>
      %mul3A_190 = arith.mulf %mul3A_189, %mul3A_185 : vector<16xf32>
      %sub3A_191 = arith.constant 1.500000e+00 : f32
      %sub3A_192 = vector.broadcast %sub3A_191 : f32 to vector<16xf32>
      %sub3A_193 = arith.subf %sub3A_192, %mul3A_190 : vector<16xf32>
      %mul3A_194 = arith.mulf %mul3A_185, %sub3A_193 : vector<16xf32>
      %max3A_195 = arith.constant 1.000000e-24 : f32
      %max3A_196 = vector.broadcast %max3A_195 : f32 to vector<16xf32>
      %max3A_197 = arith.maximumf %scan3A_159#1, %max3A_196 : vector<16xf32>
      %bitcast3A_198 = vector.bitcast %max3A_197 : vector<16xf32> to vector<16xi32>
      %broadcast_in_dim3A_199 = arith.constant 1597463007 : i32
      %broadcast_in_dim3A_200 = vector.broadcast %broadcast_in_dim3A_199 : i32 to vector<16xi32>
      %shift_right_arithmetic3A_201 = arith.constant 1 : i32
      %shift_right_arithmetic3A_202 = vector.broadcast %shift_right_arithmetic3A_201 : i32 to vector<16xi32>
      %shift_right_arithmetic3A_203 = arith.shrsi %bitcast3A_198, %shift_right_arithmetic3A_202 : vector<16xi32>
      %sub3A_204 = arith.subi %broadcast_in_dim3A_200, %shift_right_arithmetic3A_203 : vector<16xi32>
      %bitcast3A_205 = vector.bitcast %sub3A_204 : vector<16xi32> to vector<16xf32>
      %mul3A_206 = arith.constant 5.000000e-01 : f32
      %mul3A_207 = vector.broadcast %mul3A_206 : f32 to vector<16xf32>
      %mul3A_208 = arith.mulf %mul3A_207, %max3A_197 : vector<16xf32>
      %mul3A_209 = arith.mulf %mul3A_208, %bitcast3A_205 : vector<16xf32>
      %mul3A_210 = arith.mulf %mul3A_209, %bitcast3A_205 : vector<16xf32>
      %sub3A_211 = arith.constant 1.500000e+00 : f32
      %sub3A_212 = vector.broadcast %sub3A_211 : f32 to vector<16xf32>
      %sub3A_213 = arith.subf %sub3A_212, %mul3A_210 : vector<16xf32>
      %mul3A_214 = arith.mulf %bitcast3A_205, %sub3A_213 : vector<16xf32>
      %mul3A_215 = arith.constant 5.000000e-01 : f32
      %mul3A_216 = vector.broadcast %mul3A_215 : f32 to vector<16xf32>
      %mul3A_217 = arith.mulf %mul3A_216, %max3A_197 : vector<16xf32>
      %mul3A_218 = arith.mulf %mul3A_217, %mul3A_214 : vector<16xf32>
      %mul3A_219 = arith.mulf %mul3A_218, %mul3A_214 : vector<16xf32>
      %sub3A_220 = arith.constant 1.500000e+00 : f32
      %sub3A_221 = vector.broadcast %sub3A_220 : f32 to vector<16xf32>
      %sub3A_222 = arith.subf %sub3A_221, %mul3A_219 : vector<16xf32>
      %mul3A_223 = arith.mulf %mul3A_214, %sub3A_222 : vector<16xf32>
      %mul3A_224 = arith.constant 5.000000e-01 : f32
      %mul3A_225 = vector.broadcast %mul3A_224 : f32 to vector<16xf32>
      %mul3A_226 = arith.mulf %mul3A_225, %max3A_197 : vector<16xf32>
      %mul3A_227 = arith.mulf %mul3A_226, %mul3A_223 : vector<16xf32>
      %mul3A_228 = arith.mulf %mul3A_227, %mul3A_223 : vector<16xf32>
      %sub3A_229 = arith.constant 1.500000e+00 : f32
      %sub3A_230 = vector.broadcast %sub3A_229 : f32 to vector<16xf32>
      %sub3A_231 = arith.subf %sub3A_230, %mul3A_228 : vector<16xf32>
      %mul3A_232 = arith.mulf %mul3A_223, %sub3A_231 : vector<16xf32>
      %mul3A_233 = arith.mulf %scan3A_159#0, %mul3A_194 : vector<16xf32>
      %mul3A_234 = arith.mulf %mul3A_233, %mul3A_194 : vector<16xf32>
      %mul3A_235 = arith.mulf %scan3A_159#1, %mul3A_232 : vector<16xf32>
      %mul3A_236 = arith.mulf %mul3A_235, %mul3A_232 : vector<16xf32>
      %add3A_237 = arith.addf %mul3A_234, %mul3A_236 : vector<16xf32>
      %add3A_238 = arith.constant 1.000000e+00 : f32
      %add3A_239 = vector.broadcast %add3A_238 : f32 to vector<16xf32>
      %add3A_240 = arith.addf %add3A_237, %add3A_239 : vector<16xf32>
      %mul3A_241 = arith.mulf %scan3A_159#2, %mul3A_194 : vector<16xf32>
      %mul3A_242 = arith.mulf %mul3A_194, %mul3A_232 : vector<16xf32>
      %mul3A_243 = arith.mulf %scan3A_159#3, %mul3A_242 : vector<16xf32>
      %sub3A_244 = arith.subf %mul3A_241, %mul3A_243 : vector<16xf32>
      %mul3A_245 = arith.mulf %scan3A_159#4, %mul3A_232 : vector<16xf32>
      %sub3A_246 = arith.subf %sub3A_244, %mul3A_245 : vector<16xf32>
      %mul3A_247 = arith.constant 2.000000e+00 : f32
      %mul3A_248 = vector.broadcast %mul3A_247 : f32 to vector<16xf32>
      %mul3A_249 = arith.mulf %mul3A_248, %sub3A_246 : vector<16xf32>
      %add3A_250 = arith.addf %add3A_240, %mul3A_249 : vector<16xf32>
      %max3A_251 = arith.constant 0.000000e+00 : f32
      %max3A_252 = vector.broadcast %max3A_251 : f32 to vector<16xf32>
      %max3A_253 = arith.maximumf %add3A_250, %max3A_252 : vector<16xf32>
      %max3A_254 = arith.constant 1.000000e-30 : f32
      %max3A_255 = vector.broadcast %max3A_254 : f32 to vector<16xf32>
      %max3A_256 = arith.maximumf %max3A_253, %max3A_255 : vector<16xf32>
      %bitcast3A_257 = vector.bitcast %max3A_256 : vector<16xf32> to vector<16xi32>
      %broadcast_in_dim3A_258 = arith.constant 1597463007 : i32
      %broadcast_in_dim3A_259 = vector.broadcast %broadcast_in_dim3A_258 : i32 to vector<16xi32>
      %shift_right_arithmetic3A_260 = arith.constant 1 : i32
      %shift_right_arithmetic3A_261 = vector.broadcast %shift_right_arithmetic3A_260 : i32 to vector<16xi32>
      %shift_right_arithmetic3A_262 = arith.shrsi %bitcast3A_257, %shift_right_arithmetic3A_261 : vector<16xi32>
      %sub3A_263 = arith.subi %broadcast_in_dim3A_259, %shift_right_arithmetic3A_262 : vector<16xi32>
      %bitcast3A_264 = vector.bitcast %sub3A_263 : vector<16xi32> to vector<16xf32>
      %mul3A_265 = arith.constant 5.000000e-01 : f32
      %mul3A_266 = vector.broadcast %mul3A_265 : f32 to vector<16xf32>
      %mul3A_267 = arith.mulf %mul3A_266, %max3A_256 : vector<16xf32>
      %mul3A_268 = arith.mulf %mul3A_267, %bitcast3A_264 : vector<16xf32>
      %mul3A_269 = arith.mulf %mul3A_268, %bitcast3A_264 : vector<16xf32>
      %sub3A_270 = arith.constant 1.500000e+00 : f32
      %sub3A_271 = vector.broadcast %sub3A_270 : f32 to vector<16xf32>
      %sub3A_272 = arith.subf %sub3A_271, %mul3A_269 : vector<16xf32>
      %mul3A_273 = arith.mulf %bitcast3A_264, %sub3A_272 : vector<16xf32>
      %mul3A_274 = arith.constant 5.000000e-01 : f32
      %mul3A_275 = vector.broadcast %mul3A_274 : f32 to vector<16xf32>
      %mul3A_276 = arith.mulf %mul3A_275, %max3A_256 : vector<16xf32>
      %mul3A_277 = arith.mulf %mul3A_276, %mul3A_273 : vector<16xf32>
      %mul3A_278 = arith.mulf %mul3A_277, %mul3A_273 : vector<16xf32>
      %sub3A_279 = arith.constant 1.500000e+00 : f32
      %sub3A_280 = vector.broadcast %sub3A_279 : f32 to vector<16xf32>
      %sub3A_281 = arith.subf %sub3A_280, %mul3A_278 : vector<16xf32>
      %mul3A_282 = arith.mulf %mul3A_273, %sub3A_281 : vector<16xf32>
      %mul3A_283 = arith.constant 5.000000e-01 : f32
      %mul3A_284 = vector.broadcast %mul3A_283 : f32 to vector<16xf32>
      %mul3A_285 = arith.mulf %mul3A_284, %max3A_256 : vector<16xf32>
      %mul3A_286 = arith.mulf %mul3A_285, %mul3A_282 : vector<16xf32>
      %mul3A_287 = arith.mulf %mul3A_286, %mul3A_282 : vector<16xf32>
      %sub3A_288 = arith.constant 1.500000e+00 : f32
      %sub3A_289 = vector.broadcast %sub3A_288 : f32 to vector<16xf32>
      %sub3A_290 = arith.subf %sub3A_289, %mul3A_287 : vector<16xf32>
      %mul3A_291 = arith.mulf %mul3A_282, %sub3A_290 : vector<16xf32>
      %mul3A_292 = arith.mulf %max3A_253, %mul3A_291 : vector<16xf32>
      %mul3A_293 = arith.constant 16 : i32
      %mul3A_294 = arith.muli %scan3A_148, %mul3A_293 : i32
      %add3A_295 = arith.constant 0 : i32
      %add3A_296 = arith.addi %add3A_295, %mul3A_294 : i32
      %swap3A = arith.index_cast %add3A_296 : i32 to index
      %swap3A_297 = tpu.vector_load %arg17[%swap3A] {strides = array<i32>} : memref<512xf32, #tpu.memory_space<vmem>>, vector<16xf32>,
      tpu.vector_store %arg17[%swap3A], %mul3A_292 {strides = array<i32>} : memref<512xf32, #tpu.memory_space<vmem>>, vector<16xf32>,
      %scan3A_298 = arith.constant 0 : i32
      scf.yield %scan3A_298 : i32
    }
    %scan3A_51 = arith.constant 8 : i32
    %dma_wait3A_52 = arith.constant 128 : i32
    %dma_wait3A_53 = tpu.memref_slice %arg8[%dma_wait3A_52] : memref<512xi32, #tpu.memory_space<vmem>> -> memref<128xi32, #tpu.memory_space<vmem>>
    %dma_wait3A_54 = arith.constant 0 : i32
    %dma_wait3A_55 = arith.constant 0 : i32
    %dma_wait3A_56 = tpu.memref_slice %arg5[%dma_wait3A_54, %dma_wait3A_55] : memref<1000000x128xf32, #tpu.memory_space<hbm>> -> memref<1000000x128xf32, #tpu.memory_space<hbm>>
    tpu.wait_indirect_dma semaphore(%arg19 : memref<!tpu.dma_semaphore, #tpu.memory_space<semaphore_mem>>) src(%dma_wait3A_56 : memref<1000000x128xf32, #tpu.memory_space<hbm>>) dst(%arg14 : memref<128x128xf32, #tpu.memory_space<vmem>>)
    %dma_wait3A_57 = arith.constant 128 : i32
    %dma_wait3A_58 = tpu.memref_slice %arg9[%dma_wait3A_57] : memref<512xi32, #tpu.memory_space<vmem>> -> memref<128xi32, #tpu.memory_space<vmem>>
    %dma_wait3A_59 = arith.constant 0 : i32
    %dma_wait3A_60 = arith.constant 0 : i32
    %dma_wait3A_61 = tpu.memref_slice %arg5[%dma_wait3A_59, %dma_wait3A_60] : memref<1000000x128xf32, #tpu.memory_space<hbm>> -> memref<1000000x128xf32, #tpu.memory_space<hbm>>
    tpu.wait_indirect_dma semaphore(%arg19 : memref<!tpu.dma_semaphore, #tpu.memory_space<semaphore_mem>>) src(%dma_wait3A_61 : memref<1000000x128xf32, #tpu.memory_space<hbm>>) dst(%arg15 : memref<128x128xf32, #tpu.memory_space<vmem>>)
    %dma_wait3A_62 = arith.constant 128 : i32
    %dma_wait3A_63 = tpu.memref_slice %arg10[%dma_wait3A_62] : memref<512xi32, #tpu.memory_space<vmem>> -> memref<128xi32, #tpu.memory_space<vmem>>
    %dma_wait3A_64 = arith.constant 0 : i32
    %dma_wait3A_65 = arith.constant 0 : i32
    %dma_wait3A_66 = tpu.memref_slice %arg6[%dma_wait3A_64, %dma_wait3A_65] : memref<1000000x128xf32, #tpu.memory_space<hbm>> -> memref<1000000x128xf32, #tpu.memory_space<hbm>>
    tpu.wait_indirect_dma semaphore(%arg19 : memref<!tpu.dma_semaphore, #tpu.memory_space<semaphore_mem>>) src(%dma_wait3A_66 : memref<1000000x128xf32, #tpu.memory_space<hbm>>) dst(%arg16 : memref<128x128xf32, #tpu.memory_space<vmem>>)
    %dma_start3A_67 = arith.constant 256 : i32
    %dma_start3A_68 = tpu.memref_slice %arg8[%dma_start3A_67] : memref<512xi32, #tpu.memory_space<vmem>> -> memref<128xi32, #tpu.memory_space<vmem>>
    %dma_start3A_69 = arith.constant 0 : i32
    %dma_start3A_70 = arith.constant 0 : i32
    %dma_start3A_71 = tpu.memref_slice %arg5[%dma_start3A_69, %dma_start3A_70] : memref<1000000x128xf32, #tpu.memory_space<hbm>> -> memref<1000000x128xf32, #tpu.memory_space<hbm>>
    tpu.enqueue_indirect_dma source(%dma_start3A_71 : memref<1000000x128xf32, #tpu.memory_space<hbm>>) target(%arg11 : memref<128x128xf32, #tpu.memory_space<vmem>>) offsets(%dma_start3A_68 : memref<128xi32, #tpu.memory_space<vmem>>) semaphore(%arg18 : memref<!tpu.dma_semaphore, #tpu.memory_space<semaphore_mem>>)
    %dma_start3A_72 = arith.constant 256 : i32
    %dma_start3A_73 = tpu.memref_slice %arg9[%dma_start3A_72] : memref<512xi32, #tpu.memory_space<vmem>> -> memref<128xi32, #tpu.memory_space<vmem>>
    %dma_start3A_74 = arith.constant 0 : i32
    %dma_start3A_75 = arith.constant 0 : i32
    %dma_start3A_76 = tpu.memref_slice %arg5[%dma_start3A_74, %dma_start3A_75] : memref<1000000x128xf32, #tpu.memory_space<hbm>> -> memref<1000000x128xf32, #tpu.memory_space<hbm>>
    tpu.enqueue_indirect_dma source(%dma_start3A_76 : memref<1000000x128xf32, #tpu.memory_space<hbm>>) target(%arg12 : memref<128x128xf32, #tpu.memory_space<vmem>>) offsets(%dma_start3A_73 : memref<128xi32, #tpu.memory_space<vmem>>) semaphore(%arg18 : memref<!tpu.dma_semaphore, #tpu.memory_space<semaphore_mem>>)
    %dma_start3A_77 = arith.constant 256 : i32
    %dma_start3A_78 = tpu.memref_slice %arg10[%dma_start3A_77] : memref<512xi32, #tpu.memory_space<vmem>> -> memref<128xi32, #tpu.memory_space<vmem>>
    %dma_start3A_79 = arith.constant 0 : i32
    %dma_start3A_80 = arith.constant 0 : i32
    %dma_start3A_81 = tpu.memref_slice %arg6[%dma_start3A_79, %dma_start3A_80] : memref<1000000x128xf32, #tpu.memory_space<hbm>> -> memref<1000000x128xf32, #tpu.memory_space<hbm>>
    tpu.enqueue_indirect_dma source(%dma_start3A_81 : memref<1000000x128xf32, #tpu.memory_space<hbm>>) target(%arg13 : memref<128x128xf32, #tpu.memory_space<vmem>>) offsets(%dma_start3A_78 : memref<128xi32, #tpu.memory_space<vmem>>) semaphore(%arg18 : memref<!tpu.dma_semaphore, #tpu.memory_space<semaphore_mem>>)
    %scan3A_82 = arith.constant 0 : i32
    %scan3A_83 = arith.constant 0 : i32
    %scan3A_84 = arith.constant 8 : i32
    %scan3A_85 = arith.addi %scan3A_83, %scan3A_84 : i32
    %scan3A_86 = arith.constant 1 : i32
    %scan3A_87 = scf.for %scan3A_148 = %scan3A_83 to %scan3A_85 step %scan3A_86 iter_args(%scan3A_149 = %scan3A_82) -> (i32)  : i32 {
      %mul3A_150 = arith.constant 16 : i32
      %mul3A_151 = arith.muli %scan3A_148, %mul3A_150 : i32
      %add3A_152 = vector.broadcast %mul3A_151 : i32 to vector<16xi32>
      %add3A_153 = arith.addi %add3A_152, %iota3A : vector<16xi32>
      %broadcast_in_dim3A = arith.constant 0.000000e+00 : f32
      %broadcast_in_dim3A_154 = vector.broadcast %broadcast_in_dim3A : f32 to vector<16xf32>
      %scan3A_155 = arith.constant 0 : i32
      %scan3A_156 = arith.constant 16 : i32
      %scan3A_157 = arith.addi %scan3A_155, %scan3A_156 : i32
      %scan3A_158 = arith.constant 1 : i32
      %scan3A_159:6 = scf.for %scan3A_299 = %scan3A_155 to %scan3A_157 step %scan3A_158 iter_args(%scan3A_300 = %broadcast_in_dim3A_154, %scan3A_301 = %broadcast_in_dim3A_154, %scan3A_302 = %broadcast_in_dim3A_154, %scan3A_303 = %broadcast_in_dim3A_154, %scan3A_304 = %broadcast_in_dim3A_154, %scan3A_305 = %iota3A) -> (vector<16xf32>, vector<16xf32>, vector<16xf32>, vector<16xf32>, vector<16xf32>, vector<16xi32>)  : i32 {
        %add3A_306 = arith.constant 0 : i32
        %add3A_307 = vector.broadcast %add3A_306 : i32 to vector<16xi32>
        %add3A_308 = arith.addi %scan3A_305, %add3A_307 : vector<16xi32>
        %and3A = arith.constant 127 : i32
        %and3A_309 = vector.broadcast %and3A : i32 to vector<16xi32>
        %and3A_310 = arith.andi %add3A_308, %and3A_309 : vector<16xi32>
        %gather3A = tpu.vector_load_idx %arg14[%add3A_153, %and3A_310] : memref<128x128xf32, #tpu.memory_space<vmem>>[vector<16xi32>, vector<16xi32>], vector<16xf32>,
        %gather3A_311 = tpu.vector_load_idx %arg15[%add3A_153, %and3A_310] : memref<128x128xf32, #tpu.memory_space<vmem>>[vector<16xi32>, vector<16xi32>], vector<16xf32>,
        %gather3A_312 = tpu.vector_load_idx %arg16[%add3A_153, %and3A_310] : memref<128x128xf32, #tpu.memory_space<vmem>>[vector<16xi32>, vector<16xi32>], vector<16xf32>,
        %mul3A_313 = arith.mulf %gather3A, %gather3A : vector<16xf32>
        %add3A_314 = arith.addf %scan3A_300, %mul3A_313 : vector<16xf32>
        %mul3A_315 = arith.mulf %gather3A_311, %gather3A_311 : vector<16xf32>
        %add3A_316 = arith.addf %scan3A_301, %mul3A_315 : vector<16xf32>
        %mul3A_317 = arith.mulf %gather3A, %gather3A_312 : vector<16xf32>
        %add3A_318 = arith.addf %scan3A_302, %mul3A_317 : vector<16xf32>
        %mul3A_319 = arith.mulf %gather3A, %gather3A_311 : vector<16xf32>
        %add3A_320 = arith.addf %scan3A_303, %mul3A_319 : vector<16xf32>
        %mul3A_321 = arith.mulf %gather3A_312, %gather3A_311 : vector<16xf32>
        %add3A_322 = arith.addf %scan3A_304, %mul3A_321 : vector<16xf32>
        %add3A_323 = arith.constant 1 : i32
        %add3A_324 = vector.broadcast %add3A_323 : i32 to vector<16xi32>
        %add3A_325 = arith.addi %scan3A_305, %add3A_324 : vector<16xi32>
        %and3A_326 = arith.constant 127 : i32
        %and3A_327 = vector.broadcast %and3A_326 : i32 to vector<16xi32>
        %and3A_328 = arith.andi %add3A_325, %and3A_327 : vector<16xi32>
        %gather3A_329 = tpu.vector_load_idx %arg14[%add3A_153, %and3A_328] : memref<128x128xf32, #tpu.memory_space<vmem>>[vector<16xi32>, vector<16xi32>], vector<16xf32>,
        %gather3A_330 = tpu.vector_load_idx %arg15[%add3A_153, %and3A_328] : memref<128x128xf32, #tpu.memory_space<vmem>>[vector<16xi32>, vector<16xi32>], vector<16xf32>,
        %gather3A_331 = tpu.vector_load_idx %arg16[%add3A_153, %and3A_328] : memref<128x128xf32, #tpu.memory_space<vmem>>[vector<16xi32>, vector<16xi32>], vector<16xf32>,
        %mul3A_332 = arith.mulf %gather3A_329, %gather3A_329 : vector<16xf32>
        %add3A_333 = arith.addf %add3A_314, %mul3A_332 : vector<16xf32>
        %mul3A_334 = arith.mulf %gather3A_330, %gather3A_330 : vector<16xf32>
        %add3A_335 = arith.addf %add3A_316, %mul3A_334 : vector<16xf32>
        %mul3A_336 = arith.mulf %gather3A_329, %gather3A_331 : vector<16xf32>
        %add3A_337 = arith.addf %add3A_318, %mul3A_336 : vector<16xf32>
        %mul3A_338 = arith.mulf %gather3A_329, %gather3A_330 : vector<16xf32>
        %add3A_339 = arith.addf %add3A_320, %mul3A_338 : vector<16xf32>
        %mul3A_340 = arith.mulf %gather3A_331, %gather3A_330 : vector<16xf32>
        %add3A_341 = arith.addf %add3A_322, %mul3A_340 : vector<16xf32>
        %add3A_342 = arith.constant 2 : i32
        %add3A_343 = vector.broadcast %add3A_342 : i32 to vector<16xi32>
        %add3A_344 = arith.addi %scan3A_305, %add3A_343 : vector<16xi32>
        %and3A_345 = arith.constant 127 : i32
        %and3A_346 = vector.broadcast %and3A_345 : i32 to vector<16xi32>
        %and3A_347 = arith.andi %add3A_344, %and3A_346 : vector<16xi32>
        %gather3A_348 = tpu.vector_load_idx %arg14[%add3A_153, %and3A_347] : memref<128x128xf32, #tpu.memory_space<vmem>>[vector<16xi32>, vector<16xi32>], vector<16xf32>,
        %gather3A_349 = tpu.vector_load_idx %arg15[%add3A_153, %and3A_347] : memref<128x128xf32, #tpu.memory_space<vmem>>[vector<16xi32>, vector<16xi32>], vector<16xf32>,
        %gather3A_350 = tpu.vector_load_idx %arg16[%add3A_153, %and3A_347] : memref<128x128xf32, #tpu.memory_space<vmem>>[vector<16xi32>, vector<16xi32>], vector<16xf32>,
        %mul3A_351 = arith.mulf %gather3A_348, %gather3A_348 : vector<16xf32>
        %add3A_352 = arith.addf %add3A_333, %mul3A_351 : vector<16xf32>
        %mul3A_353 = arith.mulf %gather3A_349, %gather3A_349 : vector<16xf32>
        %add3A_354 = arith.addf %add3A_335, %mul3A_353 : vector<16xf32>
        %mul3A_355 = arith.mulf %gather3A_348, %gather3A_350 : vector<16xf32>
        %add3A_356 = arith.addf %add3A_337, %mul3A_355 : vector<16xf32>
        %mul3A_357 = arith.mulf %gather3A_348, %gather3A_349 : vector<16xf32>
        %add3A_358 = arith.addf %add3A_339, %mul3A_357 : vector<16xf32>
        %mul3A_359 = arith.mulf %gather3A_350, %gather3A_349 : vector<16xf32>
        %add3A_360 = arith.addf %add3A_341, %mul3A_359 : vector<16xf32>
        %add3A_361 = arith.constant 3 : i32
        %add3A_362 = vector.broadcast %add3A_361 : i32 to vector<16xi32>
        %add3A_363 = arith.addi %scan3A_305, %add3A_362 : vector<16xi32>
        %and3A_364 = arith.constant 127 : i32
        %and3A_365 = vector.broadcast %and3A_364 : i32 to vector<16xi32>
        %and3A_366 = arith.andi %add3A_363, %and3A_365 : vector<16xi32>
        %gather3A_367 = tpu.vector_load_idx %arg14[%add3A_153, %and3A_366] : memref<128x128xf32, #tpu.memory_space<vmem>>[vector<16xi32>, vector<16xi32>], vector<16xf32>,
        %gather3A_368 = tpu.vector_load_idx %arg15[%add3A_153, %and3A_366] : memref<128x128xf32, #tpu.memory_space<vmem>>[vector<16xi32>, vector<16xi32>], vector<16xf32>,
        %gather3A_369 = tpu.vector_load_idx %arg16[%add3A_153, %and3A_366] : memref<128x128xf32, #tpu.memory_space<vmem>>[vector<16xi32>, vector<16xi32>], vector<16xf32>,
        %mul3A_370 = arith.mulf %gather3A_367, %gather3A_367 : vector<16xf32>
        %add3A_371 = arith.addf %add3A_352, %mul3A_370 : vector<16xf32>
        %mul3A_372 = arith.mulf %gather3A_368, %gather3A_368 : vector<16xf32>
        %add3A_373 = arith.addf %add3A_354, %mul3A_372 : vector<16xf32>
        %mul3A_374 = arith.mulf %gather3A_367, %gather3A_369 : vector<16xf32>
        %add3A_375 = arith.addf %add3A_356, %mul3A_374 : vector<16xf32>
        %mul3A_376 = arith.mulf %gather3A_367, %gather3A_368 : vector<16xf32>
        %add3A_377 = arith.addf %add3A_358, %mul3A_376 : vector<16xf32>
        %mul3A_378 = arith.mulf %gather3A_369, %gather3A_368 : vector<16xf32>
        %add3A_379 = arith.addf %add3A_360, %mul3A_378 : vector<16xf32>
        %add3A_380 = arith.constant 4 : i32
        %add3A_381 = vector.broadcast %add3A_380 : i32 to vector<16xi32>
        %add3A_382 = arith.addi %scan3A_305, %add3A_381 : vector<16xi32>
        %and3A_383 = arith.constant 127 : i32
        %and3A_384 = vector.broadcast %and3A_383 : i32 to vector<16xi32>
        %and3A_385 = arith.andi %add3A_382, %and3A_384 : vector<16xi32>
        %gather3A_386 = tpu.vector_load_idx %arg14[%add3A_153, %and3A_385] : memref<128x128xf32, #tpu.memory_space<vmem>>[vector<16xi32>, vector<16xi32>], vector<16xf32>,
        %gather3A_387 = tpu.vector_load_idx %arg15[%add3A_153, %and3A_385] : memref<128x128xf32, #tpu.memory_space<vmem>>[vector<16xi32>, vector<16xi32>], vector<16xf32>,
        %gather3A_388 = tpu.vector_load_idx %arg16[%add3A_153, %and3A_385] : memref<128x128xf32, #tpu.memory_space<vmem>>[vector<16xi32>, vector<16xi32>], vector<16xf32>,
        %mul3A_389 = arith.mulf %gather3A_386, %gather3A_386 : vector<16xf32>
        %add3A_390 = arith.addf %add3A_371, %mul3A_389 : vector<16xf32>
        %mul3A_391 = arith.mulf %gather3A_387, %gather3A_387 : vector<16xf32>
        %add3A_392 = arith.addf %add3A_373, %mul3A_391 : vector<16xf32>
        %mul3A_393 = arith.mulf %gather3A_386, %gather3A_388 : vector<16xf32>
        %add3A_394 = arith.addf %add3A_375, %mul3A_393 : vector<16xf32>
        %mul3A_395 = arith.mulf %gather3A_386, %gather3A_387 : vector<16xf32>
        %add3A_396 = arith.addf %add3A_377, %mul3A_395 : vector<16xf32>
        %mul3A_397 = arith.mulf %gather3A_388, %gather3A_387 : vector<16xf32>
        %add3A_398 = arith.addf %add3A_379, %mul3A_397 : vector<16xf32>
        %add3A_399 = arith.constant 5 : i32
        %add3A_400 = vector.broadcast %add3A_399 : i32 to vector<16xi32>
        %add3A_401 = arith.addi %scan3A_305, %add3A_400 : vector<16xi32>
        %and3A_402 = arith.constant 127 : i32
        %and3A_403 = vector.broadcast %and3A_402 : i32 to vector<16xi32>
        %and3A_404 = arith.andi %add3A_401, %and3A_403 : vector<16xi32>
        %gather3A_405 = tpu.vector_load_idx %arg14[%add3A_153, %and3A_404] : memref<128x128xf32, #tpu.memory_space<vmem>>[vector<16xi32>, vector<16xi32>], vector<16xf32>,
        %gather3A_406 = tpu.vector_load_idx %arg15[%add3A_153, %and3A_404] : memref<128x128xf32, #tpu.memory_space<vmem>>[vector<16xi32>, vector<16xi32>], vector<16xf32>,
        %gather3A_407 = tpu.vector_load_idx %arg16[%add3A_153, %and3A_404] : memref<128x128xf32, #tpu.memory_space<vmem>>[vector<16xi32>, vector<16xi32>], vector<16xf32>,
        %mul3A_408 = arith.mulf %gather3A_405, %gather3A_405 : vector<16xf32>
        %add3A_409 = arith.addf %add3A_390, %mul3A_408 : vector<16xf32>
        %mul3A_410 = arith.mulf %gather3A_406, %gather3A_406 : vector<16xf32>
        %add3A_411 = arith.addf %add3A_392, %mul3A_410 : vector<16xf32>
        %mul3A_412 = arith.mulf %gather3A_405, %gather3A_407 : vector<16xf32>
        %add3A_413 = arith.addf %add3A_394, %mul3A_412 : vector<16xf32>
        %mul3A_414 = arith.mulf %gather3A_405, %gather3A_406 : vector<16xf32>
        %add3A_415 = arith.addf %add3A_396, %mul3A_414 : vector<16xf32>
        %mul3A_416 = arith.mulf %gather3A_407, %gather3A_406 : vector<16xf32>
        %add3A_417 = arith.addf %add3A_398, %mul3A_416 : vector<16xf32>
        %add3A_418 = arith.constant 6 : i32
        %add3A_419 = vector.broadcast %add3A_418 : i32 to vector<16xi32>
        %add3A_420 = arith.addi %scan3A_305, %add3A_419 : vector<16xi32>
        %and3A_421 = arith.constant 127 : i32
        %and3A_422 = vector.broadcast %and3A_421 : i32 to vector<16xi32>
        %and3A_423 = arith.andi %add3A_420, %and3A_422 : vector<16xi32>
        %gather3A_424 = tpu.vector_load_idx %arg14[%add3A_153, %and3A_423] : memref<128x128xf32, #tpu.memory_space<vmem>>[vector<16xi32>, vector<16xi32>], vector<16xf32>,
        %gather3A_425 = tpu.vector_load_idx %arg15[%add3A_153, %and3A_423] : memref<128x128xf32, #tpu.memory_space<vmem>>[vector<16xi32>, vector<16xi32>], vector<16xf32>,
        %gather3A_426 = tpu.vector_load_idx %arg16[%add3A_153, %and3A_423] : memref<128x128xf32, #tpu.memory_space<vmem>>[vector<16xi32>, vector<16xi32>], vector<16xf32>,
        %mul3A_427 = arith.mulf %gather3A_424, %gather3A_424 : vector<16xf32>
        %add3A_428 = arith.addf %add3A_409, %mul3A_427 : vector<16xf32>
        %mul3A_429 = arith.mulf %gather3A_425, %gather3A_425 : vector<16xf32>
        %add3A_430 = arith.addf %add3A_411, %mul3A_429 : vector<16xf32>
        %mul3A_431 = arith.mulf %gather3A_424, %gather3A_426 : vector<16xf32>
        %add3A_432 = arith.addf %add3A_413, %mul3A_431 : vector<16xf32>
        %mul3A_433 = arith.mulf %gather3A_424, %gather3A_425 : vector<16xf32>
        %add3A_434 = arith.addf %add3A_415, %mul3A_433 : vector<16xf32>
        %mul3A_435 = arith.mulf %gather3A_426, %gather3A_425 : vector<16xf32>
        %add3A_436 = arith.addf %add3A_417, %mul3A_435 : vector<16xf32>
        %add3A_437 = arith.constant 7 : i32
        %add3A_438 = vector.broadcast %add3A_437 : i32 to vector<16xi32>
        %add3A_439 = arith.addi %scan3A_305, %add3A_438 : vector<16xi32>
        %and3A_440 = arith.constant 127 : i32
        %and3A_441 = vector.broadcast %and3A_440 : i32 to vector<16xi32>
        %and3A_442 = arith.andi %add3A_439, %and3A_441 : vector<16xi32>
        %gather3A_443 = tpu.vector_load_idx %arg14[%add3A_153, %and3A_442] : memref<128x128xf32, #tpu.memory_space<vmem>>[vector<16xi32>, vector<16xi32>], vector<16xf32>,
        %gather3A_444 = tpu.vector_load_idx %arg15[%add3A_153, %and3A_442] : memref<128x128xf32, #tpu.memory_space<vmem>>[vector<16xi32>, vector<16xi32>], vector<16xf32>,
        %gather3A_445 = tpu.vector_load_idx %arg16[%add3A_153, %and3A_442] : memref<128x128xf32, #tpu.memory_space<vmem>>[vector<16xi32>, vector<16xi32>], vector<16xf32>,
        %mul3A_446 = arith.mulf %gather3A_443, %gather3A_443 : vector<16xf32>
        %add3A_447 = arith.addf %add3A_428, %mul3A_446 : vector<16xf32>
        %mul3A_448 = arith.mulf %gather3A_444, %gather3A_444 : vector<16xf32>
        %add3A_449 = arith.addf %add3A_430, %mul3A_448 : vector<16xf32>
        %mul3A_450 = arith.mulf %gather3A_443, %gather3A_445 : vector<16xf32>
        %add3A_451 = arith.addf %add3A_432, %mul3A_450 : vector<16xf32>
        %mul3A_452 = arith.mulf %gather3A_443, %gather3A_444 : vector<16xf32>
        %add3A_453 = arith.addf %add3A_434, %mul3A_452 : vector<16xf32>
        %mul3A_454 = arith.mulf %gather3A_445, %gather3A_444 : vector<16xf32>
        %add3A_455 = arith.addf %add3A_436, %mul3A_454 : vector<16xf32>
        %add3A_456 = arith.constant 8 : i32
        %add3A_457 = vector.broadcast %add3A_456 : i32 to vector<16xi32>
        %add3A_458 = arith.addi %scan3A_305, %add3A_457 : vector<16xi32>
        scf.yield %add3A_447, %add3A_449, %add3A_451, %add3A_453, %add3A_455, %add3A_458 : vector<16xf32>, vector<16xf32>, vector<16xf32>, vector<16xf32>, vector<16xf32>, vector<16xi32>
      }
      %scan3A_160 = arith.constant 16 : i32
      %max3A = arith.constant 1.000000e-24 : f32
      %max3A_161 = vector.broadcast %max3A : f32 to vector<16xf32>
      %max3A_162 = arith.maximumf %scan3A_159#0, %max3A_161 : vector<16xf32>
      %bitcast3A = vector.bitcast %max3A_162 : vector<16xf32> to vector<16xi32>
      %broadcast_in_dim3A_163 = arith.constant 1597463007 : i32
      %broadcast_in_dim3A_164 = vector.broadcast %broadcast_in_dim3A_163 : i32 to vector<16xi32>
      %shift_right_arithmetic3A = arith.constant 1 : i32
      %shift_right_arithmetic3A_165 = vector.broadcast %shift_right_arithmetic3A : i32 to vector<16xi32>
      %shift_right_arithmetic3A_166 = arith.shrsi %bitcast3A, %shift_right_arithmetic3A_165 : vector<16xi32>
      %sub3A = arith.subi %broadcast_in_dim3A_164, %shift_right_arithmetic3A_166 : vector<16xi32>
      %bitcast3A_167 = vector.bitcast %sub3A : vector<16xi32> to vector<16xf32>
      %mul3A_168 = arith.constant 5.000000e-01 : f32
      %mul3A_169 = vector.broadcast %mul3A_168 : f32 to vector<16xf32>
      %mul3A_170 = arith.mulf %mul3A_169, %max3A_162 : vector<16xf32>
      %mul3A_171 = arith.mulf %mul3A_170, %bitcast3A_167 : vector<16xf32>
      %mul3A_172 = arith.mulf %mul3A_171, %bitcast3A_167 : vector<16xf32>
      %sub3A_173 = arith.constant 1.500000e+00 : f32
      %sub3A_174 = vector.broadcast %sub3A_173 : f32 to vector<16xf32>
      %sub3A_175 = arith.subf %sub3A_174, %mul3A_172 : vector<16xf32>
      %mul3A_176 = arith.mulf %bitcast3A_167, %sub3A_175 : vector<16xf32>
      %mul3A_177 = arith.constant 5.000000e-01 : f32
      %mul3A_178 = vector.broadcast %mul3A_177 : f32 to vector<16xf32>
      %mul3A_179 = arith.mulf %mul3A_178, %max3A_162 : vector<16xf32>
      %mul3A_180 = arith.mulf %mul3A_179, %mul3A_176 : vector<16xf32>
      %mul3A_181 = arith.mulf %mul3A_180, %mul3A_176 : vector<16xf32>
      %sub3A_182 = arith.constant 1.500000e+00 : f32
      %sub3A_183 = vector.broadcast %sub3A_182 : f32 to vector<16xf32>
      %sub3A_184 = arith.subf %sub3A_183, %mul3A_181 : vector<16xf32>
      %mul3A_185 = arith.mulf %mul3A_176, %sub3A_184 : vector<16xf32>
      %mul3A_186 = arith.constant 5.000000e-01 : f32
      %mul3A_187 = vector.broadcast %mul3A_186 : f32 to vector<16xf32>
      %mul3A_188 = arith.mulf %mul3A_187, %max3A_162 : vector<16xf32>
      %mul3A_189 = arith.mulf %mul3A_188, %mul3A_185 : vector<16xf32>
      %mul3A_190 = arith.mulf %mul3A_189, %mul3A_185 : vector<16xf32>
      %sub3A_191 = arith.constant 1.500000e+00 : f32
      %sub3A_192 = vector.broadcast %sub3A_191 : f32 to vector<16xf32>
      %sub3A_193 = arith.subf %sub3A_192, %mul3A_190 : vector<16xf32>
      %mul3A_194 = arith.mulf %mul3A_185, %sub3A_193 : vector<16xf32>
      %max3A_195 = arith.constant 1.000000e-24 : f32
      %max3A_196 = vector.broadcast %max3A_195 : f32 to vector<16xf32>
      %max3A_197 = arith.maximumf %scan3A_159#1, %max3A_196 : vector<16xf32>
      %bitcast3A_198 = vector.bitcast %max3A_197 : vector<16xf32> to vector<16xi32>
      %broadcast_in_dim3A_199 = arith.constant 1597463007 : i32
      %broadcast_in_dim3A_200 = vector.broadcast %broadcast_in_dim3A_199 : i32 to vector<16xi32>
      %shift_right_arithmetic3A_201 = arith.constant 1 : i32
      %shift_right_arithmetic3A_202 = vector.broadcast %shift_right_arithmetic3A_201 : i32 to vector<16xi32>
      %shift_right_arithmetic3A_203 = arith.shrsi %bitcast3A_198, %shift_right_arithmetic3A_202 : vector<16xi32>
      %sub3A_204 = arith.subi %broadcast_in_dim3A_200, %shift_right_arithmetic3A_203 : vector<16xi32>
      %bitcast3A_205 = vector.bitcast %sub3A_204 : vector<16xi32> to vector<16xf32>
      %mul3A_206 = arith.constant 5.000000e-01 : f32
      %mul3A_207 = vector.broadcast %mul3A_206 : f32 to vector<16xf32>
      %mul3A_208 = arith.mulf %mul3A_207, %max3A_197 : vector<16xf32>
      %mul3A_209 = arith.mulf %mul3A_208, %bitcast3A_205 : vector<16xf32>
      %mul3A_210 = arith.mulf %mul3A_209, %bitcast3A_205 : vector<16xf32>
      %sub3A_211 = arith.constant 1.500000e+00 : f32
      %sub3A_212 = vector.broadcast %sub3A_211 : f32 to vector<16xf32>
      %sub3A_213 = arith.subf %sub3A_212, %mul3A_210 : vector<16xf32>
      %mul3A_214 = arith.mulf %bitcast3A_205, %sub3A_213 : vector<16xf32>
      %mul3A_215 = arith.constant 5.000000e-01 : f32
      %mul3A_216 = vector.broadcast %mul3A_215 : f32 to vector<16xf32>
      %mul3A_217 = arith.mulf %mul3A_216, %max3A_197 : vector<16xf32>
      %mul3A_218 = arith.mulf %mul3A_217, %mul3A_214 : vector<16xf32>
      %mul3A_219 = arith.mulf %mul3A_218, %mul3A_214 : vector<16xf32>
      %sub3A_220 = arith.constant 1.500000e+00 : f32
      %sub3A_221 = vector.broadcast %sub3A_220 : f32 to vector<16xf32>
      %sub3A_222 = arith.subf %sub3A_221, %mul3A_219 : vector<16xf32>
      %mul3A_223 = arith.mulf %mul3A_214, %sub3A_222 : vector<16xf32>
      %mul3A_224 = arith.constant 5.000000e-01 : f32
      %mul3A_225 = vector.broadcast %mul3A_224 : f32 to vector<16xf32>
      %mul3A_226 = arith.mulf %mul3A_225, %max3A_197 : vector<16xf32>
      %mul3A_227 = arith.mulf %mul3A_226, %mul3A_223 : vector<16xf32>
      %mul3A_228 = arith.mulf %mul3A_227, %mul3A_223 : vector<16xf32>
      %sub3A_229 = arith.constant 1.500000e+00 : f32
      %sub3A_230 = vector.broadcast %sub3A_229 : f32 to vector<16xf32>
      %sub3A_231 = arith.subf %sub3A_230, %mul3A_228 : vector<16xf32>
      %mul3A_232 = arith.mulf %mul3A_223, %sub3A_231 : vector<16xf32>
      %mul3A_233 = arith.mulf %scan3A_159#0, %mul3A_194 : vector<16xf32>
      %mul3A_234 = arith.mulf %mul3A_233, %mul3A_194 : vector<16xf32>
      %mul3A_235 = arith.mulf %scan3A_159#1, %mul3A_232 : vector<16xf32>
      %mul3A_236 = arith.mulf %mul3A_235, %mul3A_232 : vector<16xf32>
      %add3A_237 = arith.addf %mul3A_234, %mul3A_236 : vector<16xf32>
      %add3A_238 = arith.constant 1.000000e+00 : f32
      %add3A_239 = vector.broadcast %add3A_238 : f32 to vector<16xf32>
      %add3A_240 = arith.addf %add3A_237, %add3A_239 : vector<16xf32>
      %mul3A_241 = arith.mulf %scan3A_159#2, %mul3A_194 : vector<16xf32>
      %mul3A_242 = arith.mulf %mul3A_194, %mul3A_232 : vector<16xf32>
      %mul3A_243 = arith.mulf %scan3A_159#3, %mul3A_242 : vector<16xf32>
      %sub3A_244 = arith.subf %mul3A_241, %mul3A_243 : vector<16xf32>
      %mul3A_245 = arith.mulf %scan3A_159#4, %mul3A_232 : vector<16xf32>
      %sub3A_246 = arith.subf %sub3A_244, %mul3A_245 : vector<16xf32>
      %mul3A_247 = arith.constant 2.000000e+00 : f32
      %mul3A_248 = vector.broadcast %mul3A_247 : f32 to vector<16xf32>
      %mul3A_249 = arith.mulf %mul3A_248, %sub3A_246 : vector<16xf32>
      %add3A_250 = arith.addf %add3A_240, %mul3A_249 : vector<16xf32>
      %max3A_251 = arith.constant 0.000000e+00 : f32
      %max3A_252 = vector.broadcast %max3A_251 : f32 to vector<16xf32>
      %max3A_253 = arith.maximumf %add3A_250, %max3A_252 : vector<16xf32>
      %max3A_254 = arith.constant 1.000000e-30 : f32
      %max3A_255 = vector.broadcast %max3A_254 : f32 to vector<16xf32>
      %max3A_256 = arith.maximumf %max3A_253, %max3A_255 : vector<16xf32>
      %bitcast3A_257 = vector.bitcast %max3A_256 : vector<16xf32> to vector<16xi32>
      %broadcast_in_dim3A_258 = arith.constant 1597463007 : i32
      %broadcast_in_dim3A_259 = vector.broadcast %broadcast_in_dim3A_258 : i32 to vector<16xi32>
      %shift_right_arithmetic3A_260 = arith.constant 1 : i32
      %shift_right_arithmetic3A_261 = vector.broadcast %shift_right_arithmetic3A_260 : i32 to vector<16xi32>
      %shift_right_arithmetic3A_262 = arith.shrsi %bitcast3A_257, %shift_right_arithmetic3A_261 : vector<16xi32>
      %sub3A_263 = arith.subi %broadcast_in_dim3A_259, %shift_right_arithmetic3A_262 : vector<16xi32>
      %bitcast3A_264 = vector.bitcast %sub3A_263 : vector<16xi32> to vector<16xf32>
      %mul3A_265 = arith.constant 5.000000e-01 : f32
      %mul3A_266 = vector.broadcast %mul3A_265 : f32 to vector<16xf32>
      %mul3A_267 = arith.mulf %mul3A_266, %max3A_256 : vector<16xf32>
      %mul3A_268 = arith.mulf %mul3A_267, %bitcast3A_264 : vector<16xf32>
      %mul3A_269 = arith.mulf %mul3A_268, %bitcast3A_264 : vector<16xf32>
      %sub3A_270 = arith.constant 1.500000e+00 : f32
      %sub3A_271 = vector.broadcast %sub3A_270 : f32 to vector<16xf32>
      %sub3A_272 = arith.subf %sub3A_271, %mul3A_269 : vector<16xf32>
      %mul3A_273 = arith.mulf %bitcast3A_264, %sub3A_272 : vector<16xf32>
      %mul3A_274 = arith.constant 5.000000e-01 : f32
      %mul3A_275 = vector.broadcast %mul3A_274 : f32 to vector<16xf32>
      %mul3A_276 = arith.mulf %mul3A_275, %max3A_256 : vector<16xf32>
      %mul3A_277 = arith.mulf %mul3A_276, %mul3A_273 : vector<16xf32>
      %mul3A_278 = arith.mulf %mul3A_277, %mul3A_273 : vector<16xf32>
      %sub3A_279 = arith.constant 1.500000e+00 : f32
      %sub3A_280 = vector.broadcast %sub3A_279 : f32 to vector<16xf32>
      %sub3A_281 = arith.subf %sub3A_280, %mul3A_278 : vector<16xf32>
      %mul3A_282 = arith.mulf %mul3A_273, %sub3A_281 : vector<16xf32>
      %mul3A_283 = arith.constant 5.000000e-01 : f32
      %mul3A_284 = vector.broadcast %mul3A_283 : f32 to vector<16xf32>
      %mul3A_285 = arith.mulf %mul3A_284, %max3A_256 : vector<16xf32>
      %mul3A_286 = arith.mulf %mul3A_285, %mul3A_282 : vector<16xf32>
      %mul3A_287 = arith.mulf %mul3A_286, %mul3A_282 : vector<16xf32>
      %sub3A_288 = arith.constant 1.500000e+00 : f32
      %sub3A_289 = vector.broadcast %sub3A_288 : f32 to vector<16xf32>
      %sub3A_290 = arith.subf %sub3A_289, %mul3A_287 : vector<16xf32>
      %mul3A_291 = arith.mulf %mul3A_282, %sub3A_290 : vector<16xf32>
      %mul3A_292 = arith.mulf %max3A_253, %mul3A_291 : vector<16xf32>
      %mul3A_293 = arith.constant 16 : i32
      %mul3A_294 = arith.muli %scan3A_148, %mul3A_293 : i32
      %add3A_295 = arith.constant 128 : i32
      %add3A_296 = arith.addi %add3A_295, %mul3A_294 : i32
      %swap3A = arith.index_cast %add3A_296 : i32 to index
      %swap3A_297 = tpu.vector_load %arg17[%swap3A] {strides = array<i32>} : memref<512xf32, #tpu.memory_space<vmem>>, vector<16xf32>,
      tpu.vector_store %arg17[%swap3A], %mul3A_292 {strides = array<i32>} : memref<512xf32, #tpu.memory_space<vmem>>, vector<16xf32>,
      %scan3A_298 = arith.constant 0 : i32
      scf.yield %scan3A_298 : i32
    }
    %scan3A_88 = arith.constant 8 : i32
    %dma_wait3A_89 = arith.constant 256 : i32
    %dma_wait3A_90 = tpu.memref_slice %arg8[%dma_wait3A_89] : memref<512xi32, #tpu.memory_space<vmem>> -> memref<128xi32, #tpu.memory_space<vmem>>
    %dma_wait3A_91 = arith.constant 0 : i32
    %dma_wait3A_92 = arith.constant 0 : i32
    %dma_wait3A_93 = tpu.memref_slice %arg5[%dma_wait3A_91, %dma_wait3A_92] : memref<1000000x128xf32, #tpu.memory_space<hbm>> -> memref<1000000x128xf32, #tpu.memory_space<hbm>>
    tpu.wait_indirect_dma semaphore(%arg18 : memref<!tpu.dma_semaphore, #tpu.memory_space<semaphore_mem>>) src(%dma_wait3A_93 : memref<1000000x128xf32, #tpu.memory_space<hbm>>) dst(%arg11 : memref<128x128xf32, #tpu.memory_space<vmem>>)
    %dma_wait3A_94 = arith.constant 256 : i32
    %dma_wait3A_95 = tpu.memref_slice %arg9[%dma_wait3A_94] : memref<512xi32, #tpu.memory_space<vmem>> -> memref<128xi32, #tpu.memory_space<vmem>>
    %dma_wait3A_96 = arith.constant 0 : i32
    %dma_wait3A_97 = arith.constant 0 : i32
    %dma_wait3A_98 = tpu.memref_slice %arg5[%dma_wait3A_96, %dma_wait3A_97] : memref<1000000x128xf32, #tpu.memory_space<hbm>> -> memref<1000000x128xf32, #tpu.memory_space<hbm>>
    tpu.wait_indirect_dma semaphore(%arg18 : memref<!tpu.dma_semaphore, #tpu.memory_space<semaphore_mem>>) src(%dma_wait3A_98 : memref<1000000x128xf32, #tpu.memory_space<hbm>>) dst(%arg12 : memref<128x128xf32, #tpu.memory_space<vmem>>)
    %dma_wait3A_99 = arith.constant 256 : i32
    %dma_wait3A_100 = tpu.memref_slice %arg10[%dma_wait3A_99] : memref<512xi32, #tpu.memory_space<vmem>> -> memref<128xi32, #tpu.memory_space<vmem>>
    %dma_wait3A_101 = arith.constant 0 : i32
    %dma_wait3A_102 = arith.constant 0 : i32
    %dma_wait3A_103 = tpu.memref_slice %arg6[%dma_wait3A_101, %dma_wait3A_102] : memref<1000000x128xf32, #tpu.memory_space<hbm>> -> memref<1000000x128xf32, #tpu.memory_space<hbm>>
    tpu.wait_indirect_dma semaphore(%arg18 : memref<!tpu.dma_semaphore, #tpu.memory_space<semaphore_mem>>) src(%dma_wait3A_103 : memref<1000000x128xf32, #tpu.memory_space<hbm>>) dst(%arg13 : memref<128x128xf32, #tpu.memory_space<vmem>>)
    %dma_start3A_104 = arith.constant 384 : i32
    %dma_start3A_105 = tpu.memref_slice %arg8[%dma_start3A_104] : memref<512xi32, #tpu.memory_space<vmem>> -> memref<128xi32, #tpu.memory_space<vmem>>
    %dma_start3A_106 = arith.constant 0 : i32
    %dma_start3A_107 = arith.constant 0 : i32
    %dma_start3A_108 = tpu.memref_slice %arg5[%dma_start3A_106, %dma_start3A_107] : memref<1000000x128xf32, #tpu.memory_space<hbm>> -> memref<1000000x128xf32, #tpu.memory_space<hbm>>
    tpu.enqueue_indirect_dma source(%dma_start3A_108 : memref<1000000x128xf32, #tpu.memory_space<hbm>>) target(%arg14 : memref<128x128xf32, #tpu.memory_space<vmem>>) offsets(%dma_start3A_105 : memref<128xi32, #tpu.memory_space<vmem>>) semaphore(%arg19 : memref<!tpu.dma_semaphore, #tpu.memory_space<semaphore_mem>>)
    %dma_start3A_109 = arith.constant 384 : i32
    %dma_start3A_110 = tpu.memref_slice %arg9[%dma_start3A_109] : memref<512xi32, #tpu.memory_space<vmem>> -> memref<128xi32, #tpu.memory_space<vmem>>
    %dma_start3A_111 = arith.constant 0 : i32
    %dma_start3A_112 = arith.constant 0 : i32
    %dma_start3A_113 = tpu.memref_slice %arg5[%dma_start3A_111, %dma_start3A_112] : memref<1000000x128xf32, #tpu.memory_space<hbm>> -> memref<1000000x128xf32, #tpu.memory_space<hbm>>
    tpu.enqueue_indirect_dma source(%dma_start3A_113 : memref<1000000x128xf32, #tpu.memory_space<hbm>>) target(%arg15 : memref<128x128xf32, #tpu.memory_space<vmem>>) offsets(%dma_start3A_110 : memref<128xi32, #tpu.memory_space<vmem>>) semaphore(%arg19 : memref<!tpu.dma_semaphore, #tpu.memory_space<semaphore_mem>>)
    %dma_start3A_114 = arith.constant 384 : i32
    %dma_start3A_115 = tpu.memref_slice %arg10[%dma_start3A_114] : memref<512xi32, #tpu.memory_space<vmem>> -> memref<128xi32, #tpu.memory_space<vmem>>
    %dma_start3A_116 = arith.constant 0 : i32
    %dma_start3A_117 = arith.constant 0 : i32
    %dma_start3A_118 = tpu.memref_slice %arg6[%dma_start3A_116, %dma_start3A_117] : memref<1000000x128xf32, #tpu.memory_space<hbm>> -> memref<1000000x128xf32, #tpu.memory_space<hbm>>
    tpu.enqueue_indirect_dma source(%dma_start3A_118 : memref<1000000x128xf32, #tpu.memory_space<hbm>>) target(%arg16 : memref<128x128xf32, #tpu.memory_space<vmem>>) offsets(%dma_start3A_115 : memref<128xi32, #tpu.memory_space<vmem>>) semaphore(%arg19 : memref<!tpu.dma_semaphore, #tpu.memory_space<semaphore_mem>>)
    %scan3A_119 = arith.constant 0 : i32
    %scan3A_120 = arith.constant 0 : i32
    %scan3A_121 = arith.constant 8 : i32
    %scan3A_122 = arith.addi %scan3A_120, %scan3A_121 : i32
    %scan3A_123 = arith.constant 1 : i32
    %scan3A_124 = scf.for %scan3A_148 = %scan3A_120 to %scan3A_122 step %scan3A_123 iter_args(%scan3A_149 = %scan3A_119) -> (i32)  : i32 {
      %mul3A_150 = arith.constant 16 : i32
      %mul3A_151 = arith.muli %scan3A_148, %mul3A_150 : i32
      %add3A_152 = vector.broadcast %mul3A_151 : i32 to vector<16xi32>
      %add3A_153 = arith.addi %add3A_152, %iota3A : vector<16xi32>
      %broadcast_in_dim3A = arith.constant 0.000000e+00 : f32
      %broadcast_in_dim3A_154 = vector.broadcast %broadcast_in_dim3A : f32 to vector<16xf32>
      %scan3A_155 = arith.constant 0 : i32
      %scan3A_156 = arith.constant 16 : i32
      %scan3A_157 = arith.addi %scan3A_155, %scan3A_156 : i32
      %scan3A_158 = arith.constant 1 : i32
      %scan3A_159:6 = scf.for %scan3A_299 = %scan3A_155 to %scan3A_157 step %scan3A_158 iter_args(%scan3A_300 = %broadcast_in_dim3A_154, %scan3A_301 = %broadcast_in_dim3A_154, %scan3A_302 = %broadcast_in_dim3A_154, %scan3A_303 = %broadcast_in_dim3A_154, %scan3A_304 = %broadcast_in_dim3A_154, %scan3A_305 = %iota3A) -> (vector<16xf32>, vector<16xf32>, vector<16xf32>, vector<16xf32>, vector<16xf32>, vector<16xi32>)  : i32 {
        %add3A_306 = arith.constant 0 : i32
        %add3A_307 = vector.broadcast %add3A_306 : i32 to vector<16xi32>
        %add3A_308 = arith.addi %scan3A_305, %add3A_307 : vector<16xi32>
        %and3A = arith.constant 127 : i32
        %and3A_309 = vector.broadcast %and3A : i32 to vector<16xi32>
        %and3A_310 = arith.andi %add3A_308, %and3A_309 : vector<16xi32>
        %gather3A = tpu.vector_load_idx %arg11[%add3A_153, %and3A_310] : memref<128x128xf32, #tpu.memory_space<vmem>>[vector<16xi32>, vector<16xi32>], vector<16xf32>,
        %gather3A_311 = tpu.vector_load_idx %arg12[%add3A_153, %and3A_310] : memref<128x128xf32, #tpu.memory_space<vmem>>[vector<16xi32>, vector<16xi32>], vector<16xf32>,
        %gather3A_312 = tpu.vector_load_idx %arg13[%add3A_153, %and3A_310] : memref<128x128xf32, #tpu.memory_space<vmem>>[vector<16xi32>, vector<16xi32>], vector<16xf32>,
        %mul3A_313 = arith.mulf %gather3A, %gather3A : vector<16xf32>
        %add3A_314 = arith.addf %scan3A_300, %mul3A_313 : vector<16xf32>
        %mul3A_315 = arith.mulf %gather3A_311, %gather3A_311 : vector<16xf32>
        %add3A_316 = arith.addf %scan3A_301, %mul3A_315 : vector<16xf32>
        %mul3A_317 = arith.mulf %gather3A, %gather3A_312 : vector<16xf32>
        %add3A_318 = arith.addf %scan3A_302, %mul3A_317 : vector<16xf32>
        %mul3A_319 = arith.mulf %gather3A, %gather3A_311 : vector<16xf32>
        %add3A_320 = arith.addf %scan3A_303, %mul3A_319 : vector<16xf32>
        %mul3A_321 = arith.mulf %gather3A_312, %gather3A_311 : vector<16xf32>
        %add3A_322 = arith.addf %scan3A_304, %mul3A_321 : vector<16xf32>
        %add3A_323 = arith.constant 1 : i32
        %add3A_324 = vector.broadcast %add3A_323 : i32 to vector<16xi32>
        %add3A_325 = arith.addi %scan3A_305, %add3A_324 : vector<16xi32>
        %and3A_326 = arith.constant 127 : i32
        %and3A_327 = vector.broadcast %and3A_326 : i32 to vector<16xi32>
        %and3A_328 = arith.andi %add3A_325, %and3A_327 : vector<16xi32>
        %gather3A_329 = tpu.vector_load_idx %arg11[%add3A_153, %and3A_328] : memref<128x128xf32, #tpu.memory_space<vmem>>[vector<16xi32>, vector<16xi32>], vector<16xf32>,
        %gather3A_330 = tpu.vector_load_idx %arg12[%add3A_153, %and3A_328] : memref<128x128xf32, #tpu.memory_space<vmem>>[vector<16xi32>, vector<16xi32>], vector<16xf32>,
        %gather3A_331 = tpu.vector_load_idx %arg13[%add3A_153, %and3A_328] : memref<128x128xf32, #tpu.memory_space<vmem>>[vector<16xi32>, vector<16xi32>], vector<16xf32>,
        %mul3A_332 = arith.mulf %gather3A_329, %gather3A_329 : vector<16xf32>
        %add3A_333 = arith.addf %add3A_314, %mul3A_332 : vector<16xf32>
        %mul3A_334 = arith.mulf %gather3A_330, %gather3A_330 : vector<16xf32>
        %add3A_335 = arith.addf %add3A_316, %mul3A_334 : vector<16xf32>
        %mul3A_336 = arith.mulf %gather3A_329, %gather3A_331 : vector<16xf32>
        %add3A_337 = arith.addf %add3A_318, %mul3A_336 : vector<16xf32>
        %mul3A_338 = arith.mulf %gather3A_329, %gather3A_330 : vector<16xf32>
        %add3A_339 = arith.addf %add3A_320, %mul3A_338 : vector<16xf32>
        %mul3A_340 = arith.mulf %gather3A_331, %gather3A_330 : vector<16xf32>
        %add3A_341 = arith.addf %add3A_322, %mul3A_340 : vector<16xf32>
        %add3A_342 = arith.constant 2 : i32
        %add3A_343 = vector.broadcast %add3A_342 : i32 to vector<16xi32>
        %add3A_344 = arith.addi %scan3A_305, %add3A_343 : vector<16xi32>
        %and3A_345 = arith.constant 127 : i32
        %and3A_346 = vector.broadcast %and3A_345 : i32 to vector<16xi32>
        %and3A_347 = arith.andi %add3A_344, %and3A_346 : vector<16xi32>
        %gather3A_348 = tpu.vector_load_idx %arg11[%add3A_153, %and3A_347] : memref<128x128xf32, #tpu.memory_space<vmem>>[vector<16xi32>, vector<16xi32>], vector<16xf32>,
        %gather3A_349 = tpu.vector_load_idx %arg12[%add3A_153, %and3A_347] : memref<128x128xf32, #tpu.memory_space<vmem>>[vector<16xi32>, vector<16xi32>], vector<16xf32>,
        %gather3A_350 = tpu.vector_load_idx %arg13[%add3A_153, %and3A_347] : memref<128x128xf32, #tpu.memory_space<vmem>>[vector<16xi32>, vector<16xi32>], vector<16xf32>,
        %mul3A_351 = arith.mulf %gather3A_348, %gather3A_348 : vector<16xf32>
        %add3A_352 = arith.addf %add3A_333, %mul3A_351 : vector<16xf32>
        %mul3A_353 = arith.mulf %gather3A_349, %gather3A_349 : vector<16xf32>
        %add3A_354 = arith.addf %add3A_335, %mul3A_353 : vector<16xf32>
        %mul3A_355 = arith.mulf %gather3A_348, %gather3A_350 : vector<16xf32>
        %add3A_356 = arith.addf %add3A_337, %mul3A_355 : vector<16xf32>
        %mul3A_357 = arith.mulf %gather3A_348, %gather3A_349 : vector<16xf32>
        %add3A_358 = arith.addf %add3A_339, %mul3A_357 : vector<16xf32>
        %mul3A_359 = arith.mulf %gather3A_350, %gather3A_349 : vector<16xf32>
        %add3A_360 = arith.addf %add3A_341, %mul3A_359 : vector<16xf32>
        %add3A_361 = arith.constant 3 : i32
        %add3A_362 = vector.broadcast %add3A_361 : i32 to vector<16xi32>
        %add3A_363 = arith.addi %scan3A_305, %add3A_362 : vector<16xi32>
        %and3A_364 = arith.constant 127 : i32
        %and3A_365 = vector.broadcast %and3A_364 : i32 to vector<16xi32>
        %and3A_366 = arith.andi %add3A_363, %and3A_365 : vector<16xi32>
        %gather3A_367 = tpu.vector_load_idx %arg11[%add3A_153, %and3A_366] : memref<128x128xf32, #tpu.memory_space<vmem>>[vector<16xi32>, vector<16xi32>], vector<16xf32>,
        %gather3A_368 = tpu.vector_load_idx %arg12[%add3A_153, %and3A_366] : memref<128x128xf32, #tpu.memory_space<vmem>>[vector<16xi32>, vector<16xi32>], vector<16xf32>,
        %gather3A_369 = tpu.vector_load_idx %arg13[%add3A_153, %and3A_366] : memref<128x128xf32, #tpu.memory_space<vmem>>[vector<16xi32>, vector<16xi32>], vector<16xf32>,
        %mul3A_370 = arith.mulf %gather3A_367, %gather3A_367 : vector<16xf32>
        %add3A_371 = arith.addf %add3A_352, %mul3A_370 : vector<16xf32>
        %mul3A_372 = arith.mulf %gather3A_368, %gather3A_368 : vector<16xf32>
        %add3A_373 = arith.addf %add3A_354, %mul3A_372 : vector<16xf32>
        %mul3A_374 = arith.mulf %gather3A_367, %gather3A_369 : vector<16xf32>
        %add3A_375 = arith.addf %add3A_356, %mul3A_374 : vector<16xf32>
        %mul3A_376 = arith.mulf %gather3A_367, %gather3A_368 : vector<16xf32>
        %add3A_377 = arith.addf %add3A_358, %mul3A_376 : vector<16xf32>
        %mul3A_378 = arith.mulf %gather3A_369, %gather3A_368 : vector<16xf32>
        %add3A_379 = arith.addf %add3A_360, %mul3A_378 : vector<16xf32>
        %add3A_380 = arith.constant 4 : i32
        %add3A_381 = vector.broadcast %add3A_380 : i32 to vector<16xi32>
        %add3A_382 = arith.addi %scan3A_305, %add3A_381 : vector<16xi32>
        %and3A_383 = arith.constant 127 : i32
        %and3A_384 = vector.broadcast %and3A_383 : i32 to vector<16xi32>
        %and3A_385 = arith.andi %add3A_382, %and3A_384 : vector<16xi32>
        %gather3A_386 = tpu.vector_load_idx %arg11[%add3A_153, %and3A_385] : memref<128x128xf32, #tpu.memory_space<vmem>>[vector<16xi32>, vector<16xi32>], vector<16xf32>,
        %gather3A_387 = tpu.vector_load_idx %arg12[%add3A_153, %and3A_385] : memref<128x128xf32, #tpu.memory_space<vmem>>[vector<16xi32>, vector<16xi32>], vector<16xf32>,
        %gather3A_388 = tpu.vector_load_idx %arg13[%add3A_153, %and3A_385] : memref<128x128xf32, #tpu.memory_space<vmem>>[vector<16xi32>, vector<16xi32>], vector<16xf32>,
        %mul3A_389 = arith.mulf %gather3A_386, %gather3A_386 : vector<16xf32>
        %add3A_390 = arith.addf %add3A_371, %mul3A_389 : vector<16xf32>
        %mul3A_391 = arith.mulf %gather3A_387, %gather3A_387 : vector<16xf32>
        %add3A_392 = arith.addf %add3A_373, %mul3A_391 : vector<16xf32>
        %mul3A_393 = arith.mulf %gather3A_386, %gather3A_388 : vector<16xf32>
        %add3A_394 = arith.addf %add3A_375, %mul3A_393 : vector<16xf32>
        %mul3A_395 = arith.mulf %gather3A_386, %gather3A_387 : vector<16xf32>
        %add3A_396 = arith.addf %add3A_377, %mul3A_395 : vector<16xf32>
        %mul3A_397 = arith.mulf %gather3A_388, %gather3A_387 : vector<16xf32>
        %add3A_398 = arith.addf %add3A_379, %mul3A_397 : vector<16xf32>
        %add3A_399 = arith.constant 5 : i32
        %add3A_400 = vector.broadcast %add3A_399 : i32 to vector<16xi32>
        %add3A_401 = arith.addi %scan3A_305, %add3A_400 : vector<16xi32>
        %and3A_402 = arith.constant 127 : i32
        %and3A_403 = vector.broadcast %and3A_402 : i32 to vector<16xi32>
        %and3A_404 = arith.andi %add3A_401, %and3A_403 : vector<16xi32>
        %gather3A_405 = tpu.vector_load_idx %arg11[%add3A_153, %and3A_404] : memref<128x128xf32, #tpu.memory_space<vmem>>[vector<16xi32>, vector<16xi32>], vector<16xf32>,
        %gather3A_406 = tpu.vector_load_idx %arg12[%add3A_153, %and3A_404] : memref<128x128xf32, #tpu.memory_space<vmem>>[vector<16xi32>, vector<16xi32>], vector<16xf32>,
        %gather3A_407 = tpu.vector_load_idx %arg13[%add3A_153, %and3A_404] : memref<128x128xf32, #tpu.memory_space<vmem>>[vector<16xi32>, vector<16xi32>], vector<16xf32>,
        %mul3A_408 = arith.mulf %gather3A_405, %gather3A_405 : vector<16xf32>
        %add3A_409 = arith.addf %add3A_390, %mul3A_408 : vector<16xf32>
        %mul3A_410 = arith.mulf %gather3A_406, %gather3A_406 : vector<16xf32>
        %add3A_411 = arith.addf %add3A_392, %mul3A_410 : vector<16xf32>
        %mul3A_412 = arith.mulf %gather3A_405, %gather3A_407 : vector<16xf32>
        %add3A_413 = arith.addf %add3A_394, %mul3A_412 : vector<16xf32>
        %mul3A_414 = arith.mulf %gather3A_405, %gather3A_406 : vector<16xf32>
        %add3A_415 = arith.addf %add3A_396, %mul3A_414 : vector<16xf32>
        %mul3A_416 = arith.mulf %gather3A_407, %gather3A_406 : vector<16xf32>
        %add3A_417 = arith.addf %add3A_398, %mul3A_416 : vector<16xf32>
        %add3A_418 = arith.constant 6 : i32
        %add3A_419 = vector.broadcast %add3A_418 : i32 to vector<16xi32>
        %add3A_420 = arith.addi %scan3A_305, %add3A_419 : vector<16xi32>
        %and3A_421 = arith.constant 127 : i32
        %and3A_422 = vector.broadcast %and3A_421 : i32 to vector<16xi32>
        %and3A_423 = arith.andi %add3A_420, %and3A_422 : vector<16xi32>
        %gather3A_424 = tpu.vector_load_idx %arg11[%add3A_153, %and3A_423] : memref<128x128xf32, #tpu.memory_space<vmem>>[vector<16xi32>, vector<16xi32>], vector<16xf32>,
        %gather3A_425 = tpu.vector_load_idx %arg12[%add3A_153, %and3A_423] : memref<128x128xf32, #tpu.memory_space<vmem>>[vector<16xi32>, vector<16xi32>], vector<16xf32>,
        %gather3A_426 = tpu.vector_load_idx %arg13[%add3A_153, %and3A_423] : memref<128x128xf32, #tpu.memory_space<vmem>>[vector<16xi32>, vector<16xi32>], vector<16xf32>,
        %mul3A_427 = arith.mulf %gather3A_424, %gather3A_424 : vector<16xf32>
        %add3A_428 = arith.addf %add3A_409, %mul3A_427 : vector<16xf32>
        %mul3A_429 = arith.mulf %gather3A_425, %gather3A_425 : vector<16xf32>
        %add3A_430 = arith.addf %add3A_411, %mul3A_429 : vector<16xf32>
        %mul3A_431 = arith.mulf %gather3A_424, %gather3A_426 : vector<16xf32>
        %add3A_432 = arith.addf %add3A_413, %mul3A_431 : vector<16xf32>
        %mul3A_433 = arith.mulf %gather3A_424, %gather3A_425 : vector<16xf32>
        %add3A_434 = arith.addf %add3A_415, %mul3A_433 : vector<16xf32>
        %mul3A_435 = arith.mulf %gather3A_426, %gather3A_425 : vector<16xf32>
        %add3A_436 = arith.addf %add3A_417, %mul3A_435 : vector<16xf32>
        %add3A_437 = arith.constant 7 : i32
        %add3A_438 = vector.broadcast %add3A_437 : i32 to vector<16xi32>
        %add3A_439 = arith.addi %scan3A_305, %add3A_438 : vector<16xi32>
        %and3A_440 = arith.constant 127 : i32
        %and3A_441 = vector.broadcast %and3A_440 : i32 to vector<16xi32>
        %and3A_442 = arith.andi %add3A_439, %and3A_441 : vector<16xi32>
        %gather3A_443 = tpu.vector_load_idx %arg11[%add3A_153, %and3A_442] : memref<128x128xf32, #tpu.memory_space<vmem>>[vector<16xi32>, vector<16xi32>], vector<16xf32>,
        %gather3A_444 = tpu.vector_load_idx %arg12[%add3A_153, %and3A_442] : memref<128x128xf32, #tpu.memory_space<vmem>>[vector<16xi32>, vector<16xi32>], vector<16xf32>,
        %gather3A_445 = tpu.vector_load_idx %arg13[%add3A_153, %and3A_442] : memref<128x128xf32, #tpu.memory_space<vmem>>[vector<16xi32>, vector<16xi32>], vector<16xf32>,
        %mul3A_446 = arith.mulf %gather3A_443, %gather3A_443 : vector<16xf32>
        %add3A_447 = arith.addf %add3A_428, %mul3A_446 : vector<16xf32>
        %mul3A_448 = arith.mulf %gather3A_444, %gather3A_444 : vector<16xf32>
        %add3A_449 = arith.addf %add3A_430, %mul3A_448 : vector<16xf32>
        %mul3A_450 = arith.mulf %gather3A_443, %gather3A_445 : vector<16xf32>
        %add3A_451 = arith.addf %add3A_432, %mul3A_450 : vector<16xf32>
        %mul3A_452 = arith.mulf %gather3A_443, %gather3A_444 : vector<16xf32>
        %add3A_453 = arith.addf %add3A_434, %mul3A_452 : vector<16xf32>
        %mul3A_454 = arith.mulf %gather3A_445, %gather3A_444 : vector<16xf32>
        %add3A_455 = arith.addf %add3A_436, %mul3A_454 : vector<16xf32>
        %add3A_456 = arith.constant 8 : i32
        %add3A_457 = vector.broadcast %add3A_456 : i32 to vector<16xi32>
        %add3A_458 = arith.addi %scan3A_305, %add3A_457 : vector<16xi32>
        scf.yield %add3A_447, %add3A_449, %add3A_451, %add3A_453, %add3A_455, %add3A_458 : vector<16xf32>, vector<16xf32>, vector<16xf32>, vector<16xf32>, vector<16xf32>, vector<16xi32>
      }
      %scan3A_160 = arith.constant 16 : i32
      %max3A = arith.constant 1.000000e-24 : f32
      %max3A_161 = vector.broadcast %max3A : f32 to vector<16xf32>
      %max3A_162 = arith.maximumf %scan3A_159#0, %max3A_161 : vector<16xf32>
      %bitcast3A = vector.bitcast %max3A_162 : vector<16xf32> to vector<16xi32>
      %broadcast_in_dim3A_163 = arith.constant 1597463007 : i32
      %broadcast_in_dim3A_164 = vector.broadcast %broadcast_in_dim3A_163 : i32 to vector<16xi32>
      %shift_right_arithmetic3A = arith.constant 1 : i32
      %shift_right_arithmetic3A_165 = vector.broadcast %shift_right_arithmetic3A : i32 to vector<16xi32>
      %shift_right_arithmetic3A_166 = arith.shrsi %bitcast3A, %shift_right_arithmetic3A_165 : vector<16xi32>
      %sub3A = arith.subi %broadcast_in_dim3A_164, %shift_right_arithmetic3A_166 : vector<16xi32>
      %bitcast3A_167 = vector.bitcast %sub3A : vector<16xi32> to vector<16xf32>
      %mul3A_168 = arith.constant 5.000000e-01 : f32
      %mul3A_169 = vector.broadcast %mul3A_168 : f32 to vector<16xf32>
      %mul3A_170 = arith.mulf %mul3A_169, %max3A_162 : vector<16xf32>
      %mul3A_171 = arith.mulf %mul3A_170, %bitcast3A_167 : vector<16xf32>
      %mul3A_172 = arith.mulf %mul3A_171, %bitcast3A_167 : vector<16xf32>
      %sub3A_173 = arith.constant 1.500000e+00 : f32
      %sub3A_174 = vector.broadcast %sub3A_173 : f32 to vector<16xf32>
      %sub3A_175 = arith.subf %sub3A_174, %mul3A_172 : vector<16xf32>
      %mul3A_176 = arith.mulf %bitcast3A_167, %sub3A_175 : vector<16xf32>
      %mul3A_177 = arith.constant 5.000000e-01 : f32
      %mul3A_178 = vector.broadcast %mul3A_177 : f32 to vector<16xf32>
      %mul3A_179 = arith.mulf %mul3A_178, %max3A_162 : vector<16xf32>
      %mul3A_180 = arith.mulf %mul3A_179, %mul3A_176 : vector<16xf32>
      %mul3A_181 = arith.mulf %mul3A_180, %mul3A_176 : vector<16xf32>
      %sub3A_182 = arith.constant 1.500000e+00 : f32
      %sub3A_183 = vector.broadcast %sub3A_182 : f32 to vector<16xf32>
      %sub3A_184 = arith.subf %sub3A_183, %mul3A_181 : vector<16xf32>
      %mul3A_185 = arith.mulf %mul3A_176, %sub3A_184 : vector<16xf32>
      %mul3A_186 = arith.constant 5.000000e-01 : f32
      %mul3A_187 = vector.broadcast %mul3A_186 : f32 to vector<16xf32>
      %mul3A_188 = arith.mulf %mul3A_187, %max3A_162 : vector<16xf32>
      %mul3A_189 = arith.mulf %mul3A_188, %mul3A_185 : vector<16xf32>
      %mul3A_190 = arith.mulf %mul3A_189, %mul3A_185 : vector<16xf32>
      %sub3A_191 = arith.constant 1.500000e+00 : f32
      %sub3A_192 = vector.broadcast %sub3A_191 : f32 to vector<16xf32>
      %sub3A_193 = arith.subf %sub3A_192, %mul3A_190 : vector<16xf32>
      %mul3A_194 = arith.mulf %mul3A_185, %sub3A_193 : vector<16xf32>
      %max3A_195 = arith.constant 1.000000e-24 : f32
      %max3A_196 = vector.broadcast %max3A_195 : f32 to vector<16xf32>
      %max3A_197 = arith.maximumf %scan3A_159#1, %max3A_196 : vector<16xf32>
      %bitcast3A_198 = vector.bitcast %max3A_197 : vector<16xf32> to vector<16xi32>
      %broadcast_in_dim3A_199 = arith.constant 1597463007 : i32
      %broadcast_in_dim3A_200 = vector.broadcast %broadcast_in_dim3A_199 : i32 to vector<16xi32>
      %shift_right_arithmetic3A_201 = arith.constant 1 : i32
      %shift_right_arithmetic3A_202 = vector.broadcast %shift_right_arithmetic3A_201 : i32 to vector<16xi32>
      %shift_right_arithmetic3A_203 = arith.shrsi %bitcast3A_198, %shift_right_arithmetic3A_202 : vector<16xi32>
      %sub3A_204 = arith.subi %broadcast_in_dim3A_200, %shift_right_arithmetic3A_203 : vector<16xi32>
      %bitcast3A_205 = vector.bitcast %sub3A_204 : vector<16xi32> to vector<16xf32>
      %mul3A_206 = arith.constant 5.000000e-01 : f32
      %mul3A_207 = vector.broadcast %mul3A_206 : f32 to vector<16xf32>
      %mul3A_208 = arith.mulf %mul3A_207, %max3A_197 : vector<16xf32>
      %mul3A_209 = arith.mulf %mul3A_208, %bitcast3A_205 : vector<16xf32>
      %mul3A_210 = arith.mulf %mul3A_209, %bitcast3A_205 : vector<16xf32>
      %sub3A_211 = arith.constant 1.500000e+00 : f32
      %sub3A_212 = vector.broadcast %sub3A_211 : f32 to vector<16xf32>
      %sub3A_213 = arith.subf %sub3A_212, %mul3A_210 : vector<16xf32>
      %mul3A_214 = arith.mulf %bitcast3A_205, %sub3A_213 : vector<16xf32>
      %mul3A_215 = arith.constant 5.000000e-01 : f32
      %mul3A_216 = vector.broadcast %mul3A_215 : f32 to vector<16xf32>
      %mul3A_217 = arith.mulf %mul3A_216, %max3A_197 : vector<16xf32>
      %mul3A_218 = arith.mulf %mul3A_217, %mul3A_214 : vector<16xf32>
      %mul3A_219 = arith.mulf %mul3A_218, %mul3A_214 : vector<16xf32>
      %sub3A_220 = arith.constant 1.500000e+00 : f32
      %sub3A_221 = vector.broadcast %sub3A_220 : f32 to vector<16xf32>
      %sub3A_222 = arith.subf %sub3A_221, %mul3A_219 : vector<16xf32>
      %mul3A_223 = arith.mulf %mul3A_214, %sub3A_222 : vector<16xf32>
      %mul3A_224 = arith.constant 5.000000e-01 : f32
      %mul3A_225 = vector.broadcast %mul3A_224 : f32 to vector<16xf32>
      %mul3A_226 = arith.mulf %mul3A_225, %max3A_197 : vector<16xf32>
      %mul3A_227 = arith.mulf %mul3A_226, %mul3A_223 : vector<16xf32>
      %mul3A_228 = arith.mulf %mul3A_227, %mul3A_223 : vector<16xf32>
      %sub3A_229 = arith.constant 1.500000e+00 : f32
      %sub3A_230 = vector.broadcast %sub3A_229 : f32 to vector<16xf32>
      %sub3A_231 = arith.subf %sub3A_230, %mul3A_228 : vector<16xf32>
      %mul3A_232 = arith.mulf %mul3A_223, %sub3A_231 : vector<16xf32>
      %mul3A_233 = arith.mulf %scan3A_159#0, %mul3A_194 : vector<16xf32>
      %mul3A_234 = arith.mulf %mul3A_233, %mul3A_194 : vector<16xf32>
      %mul3A_235 = arith.mulf %scan3A_159#1, %mul3A_232 : vector<16xf32>
      %mul3A_236 = arith.mulf %mul3A_235, %mul3A_232 : vector<16xf32>
      %add3A_237 = arith.addf %mul3A_234, %mul3A_236 : vector<16xf32>
      %add3A_238 = arith.constant 1.000000e+00 : f32
      %add3A_239 = vector.broadcast %add3A_238 : f32 to vector<16xf32>
      %add3A_240 = arith.addf %add3A_237, %add3A_239 : vector<16xf32>
      %mul3A_241 = arith.mulf %scan3A_159#2, %mul3A_194 : vector<16xf32>
      %mul3A_242 = arith.mulf %mul3A_194, %mul3A_232 : vector<16xf32>
      %mul3A_243 = arith.mulf %scan3A_159#3, %mul3A_242 : vector<16xf32>
      %sub3A_244 = arith.subf %mul3A_241, %mul3A_243 : vector<16xf32>
      %mul3A_245 = arith.mulf %scan3A_159#4, %mul3A_232 : vector<16xf32>
      %sub3A_246 = arith.subf %sub3A_244, %mul3A_245 : vector<16xf32>
      %mul3A_247 = arith.constant 2.000000e+00 : f32
      %mul3A_248 = vector.broadcast %mul3A_247 : f32 to vector<16xf32>
      %mul3A_249 = arith.mulf %mul3A_248, %sub3A_246 : vector<16xf32>
      %add3A_250 = arith.addf %add3A_240, %mul3A_249 : vector<16xf32>
      %max3A_251 = arith.constant 0.000000e+00 : f32
      %max3A_252 = vector.broadcast %max3A_251 : f32 to vector<16xf32>
      %max3A_253 = arith.maximumf %add3A_250, %max3A_252 : vector<16xf32>
      %max3A_254 = arith.constant 1.000000e-30 : f32
      %max3A_255 = vector.broadcast %max3A_254 : f32 to vector<16xf32>
      %max3A_256 = arith.maximumf %max3A_253, %max3A_255 : vector<16xf32>
      %bitcast3A_257 = vector.bitcast %max3A_256 : vector<16xf32> to vector<16xi32>
      %broadcast_in_dim3A_258 = arith.constant 1597463007 : i32
      %broadcast_in_dim3A_259 = vector.broadcast %broadcast_in_dim3A_258 : i32 to vector<16xi32>
      %shift_right_arithmetic3A_260 = arith.constant 1 : i32
      %shift_right_arithmetic3A_261 = vector.broadcast %shift_right_arithmetic3A_260 : i32 to vector<16xi32>
      %shift_right_arithmetic3A_262 = arith.shrsi %bitcast3A_257, %shift_right_arithmetic3A_261 : vector<16xi32>
      %sub3A_263 = arith.subi %broadcast_in_dim3A_259, %shift_right_arithmetic3A_262 : vector<16xi32>
      %bitcast3A_264 = vector.bitcast %sub3A_263 : vector<16xi32> to vector<16xf32>
      %mul3A_265 = arith.constant 5.000000e-01 : f32
      %mul3A_266 = vector.broadcast %mul3A_265 : f32 to vector<16xf32>
      %mul3A_267 = arith.mulf %mul3A_266, %max3A_256 : vector<16xf32>
      %mul3A_268 = arith.mulf %mul3A_267, %bitcast3A_264 : vector<16xf32>
      %mul3A_269 = arith.mulf %mul3A_268, %bitcast3A_264 : vector<16xf32>
      %sub3A_270 = arith.constant 1.500000e+00 : f32
      %sub3A_271 = vector.broadcast %sub3A_270 : f32 to vector<16xf32>
      %sub3A_272 = arith.subf %sub3A_271, %mul3A_269 : vector<16xf32>
      %mul3A_273 = arith.mulf %bitcast3A_264, %sub3A_272 : vector<16xf32>
      %mul3A_274 = arith.constant 5.000000e-01 : f32
      %mul3A_275 = vector.broadcast %mul3A_274 : f32 to vector<16xf32>
      %mul3A_276 = arith.mulf %mul3A_275, %max3A_256 : vector<16xf32>
      %mul3A_277 = arith.mulf %mul3A_276, %mul3A_273 : vector<16xf32>
      %mul3A_278 = arith.mulf %mul3A_277, %mul3A_273 : vector<16xf32>
      %sub3A_279 = arith.constant 1.500000e+00 : f32
      %sub3A_280 = vector.broadcast %sub3A_279 : f32 to vector<16xf32>
      %sub3A_281 = arith.subf %sub3A_280, %mul3A_278 : vector<16xf32>
      %mul3A_282 = arith.mulf %mul3A_273, %sub3A_281 : vector<16xf32>
      %mul3A_283 = arith.constant 5.000000e-01 : f32
      %mul3A_284 = vector.broadcast %mul3A_283 : f32 to vector<16xf32>
      %mul3A_285 = arith.mulf %mul3A_284, %max3A_256 : vector<16xf32>
      %mul3A_286 = arith.mulf %mul3A_285, %mul3A_282 : vector<16xf32>
      %mul3A_287 = arith.mulf %mul3A_286, %mul3A_282 : vector<16xf32>
      %sub3A_288 = arith.constant 1.500000e+00 : f32
      %sub3A_289 = vector.broadcast %sub3A_288 : f32 to vector<16xf32>
      %sub3A_290 = arith.subf %sub3A_289, %mul3A_287 : vector<16xf32>
      %mul3A_291 = arith.mulf %mul3A_282, %sub3A_290 : vector<16xf32>
      %mul3A_292 = arith.mulf %max3A_253, %mul3A_291 : vector<16xf32>
      %mul3A_293 = arith.constant 16 : i32
      %mul3A_294 = arith.muli %scan3A_148, %mul3A_293 : i32
      %add3A_295 = arith.constant 256 : i32
      %add3A_296 = arith.addi %add3A_295, %mul3A_294 : i32
      %swap3A = arith.index_cast %add3A_296 : i32 to index
      %swap3A_297 = tpu.vector_load %arg17[%swap3A] {strides = array<i32>} : memref<512xf32, #tpu.memory_space<vmem>>, vector<16xf32>,
      tpu.vector_store %arg17[%swap3A], %mul3A_292 {strides = array<i32>} : memref<512xf32, #tpu.memory_space<vmem>>, vector<16xf32>,
      %scan3A_298 = arith.constant 0 : i32
      scf.yield %scan3A_298 : i32
    }
    %scan3A_125 = arith.constant 8 : i32
    %dma_wait3A_126 = arith.constant 384 : i32
    %dma_wait3A_127 = tpu.memref_slice %arg8[%dma_wait3A_126] : memref<512xi32, #tpu.memory_space<vmem>> -> memref<128xi32, #tpu.memory_space<vmem>>
    %dma_wait3A_128 = arith.constant 0 : i32
    %dma_wait3A_129 = arith.constant 0 : i32
    %dma_wait3A_130 = tpu.memref_slice %arg5[%dma_wait3A_128, %dma_wait3A_129] : memref<1000000x128xf32, #tpu.memory_space<hbm>> -> memref<1000000x128xf32, #tpu.memory_space<hbm>>
    tpu.wait_indirect_dma semaphore(%arg19 : memref<!tpu.dma_semaphore, #tpu.memory_space<semaphore_mem>>) src(%dma_wait3A_130 : memref<1000000x128xf32, #tpu.memory_space<hbm>>) dst(%arg14 : memref<128x128xf32, #tpu.memory_space<vmem>>)
    %dma_wait3A_131 = arith.constant 384 : i32
    %dma_wait3A_132 = tpu.memref_slice %arg9[%dma_wait3A_131] : memref<512xi32, #tpu.memory_space<vmem>> -> memref<128xi32, #tpu.memory_space<vmem>>
    %dma_wait3A_133 = arith.constant 0 : i32
    %dma_wait3A_134 = arith.constant 0 : i32
    %dma_wait3A_135 = tpu.memref_slice %arg5[%dma_wait3A_133, %dma_wait3A_134] : memref<1000000x128xf32, #tpu.memory_space<hbm>> -> memref<1000000x128xf32, #tpu.memory_space<hbm>>
    tpu.wait_indirect_dma semaphore(%arg19 : memref<!tpu.dma_semaphore, #tpu.memory_space<semaphore_mem>>) src(%dma_wait3A_135 : memref<1000000x128xf32, #tpu.memory_space<hbm>>) dst(%arg15 : memref<128x128xf32, #tpu.memory_space<vmem>>)
    %dma_wait3A_136 = arith.constant 384 : i32
    %dma_wait3A_137 = tpu.memref_slice %arg10[%dma_wait3A_136] : memref<512xi32, #tpu.memory_space<vmem>> -> memref<128xi32, #tpu.memory_space<vmem>>
    %dma_wait3A_138 = arith.constant 0 : i32
    %dma_wait3A_139 = arith.constant 0 : i32
    %dma_wait3A_140 = tpu.memref_slice %arg6[%dma_wait3A_138, %dma_wait3A_139] : memref<1000000x128xf32, #tpu.memory_space<hbm>> -> memref<1000000x128xf32, #tpu.memory_space<hbm>>
    tpu.wait_indirect_dma semaphore(%arg19 : memref<!tpu.dma_semaphore, #tpu.memory_space<semaphore_mem>>) src(%dma_wait3A_140 : memref<1000000x128xf32, #tpu.memory_space<hbm>>) dst(%arg16 : memref<128x128xf32, #tpu.memory_space<vmem>>)
    %scan3A_141 = arith.constant 0 : i32
    %scan3A_142 = arith.constant 0 : i32
    %scan3A_143 = arith.constant 8 : i32
    %scan3A_144 = arith.addi %scan3A_142, %scan3A_143 : i32
    %scan3A_145 = arith.constant 1 : i32
    %scan3A_146 = scf.for %scan3A_148 = %scan3A_142 to %scan3A_144 step %scan3A_145 iter_args(%scan3A_149 = %scan3A_141) -> (i32)  : i32 {
      %mul3A_150 = arith.constant 16 : i32
      %mul3A_151 = arith.muli %scan3A_148, %mul3A_150 : i32
      %add3A_152 = vector.broadcast %mul3A_151 : i32 to vector<16xi32>
      %add3A_153 = arith.addi %add3A_152, %iota3A : vector<16xi32>
      %broadcast_in_dim3A = arith.constant 0.000000e+00 : f32
      %broadcast_in_dim3A_154 = vector.broadcast %broadcast_in_dim3A : f32 to vector<16xf32>
      %scan3A_155 = arith.constant 0 : i32
      %scan3A_156 = arith.constant 16 : i32
      %scan3A_157 = arith.addi %scan3A_155, %scan3A_156 : i32
      %scan3A_158 = arith.constant 1 : i32
      %scan3A_159:6 = scf.for %scan3A_299 = %scan3A_155 to %scan3A_157 step %scan3A_158 iter_args(%scan3A_300 = %broadcast_in_dim3A_154, %scan3A_301 = %broadcast_in_dim3A_154, %scan3A_302 = %broadcast_in_dim3A_154, %scan3A_303 = %broadcast_in_dim3A_154, %scan3A_304 = %broadcast_in_dim3A_154, %scan3A_305 = %iota3A) -> (vector<16xf32>, vector<16xf32>, vector<16xf32>, vector<16xf32>, vector<16xf32>, vector<16xi32>)  : i32 {
        %add3A_306 = arith.constant 0 : i32
        %add3A_307 = vector.broadcast %add3A_306 : i32 to vector<16xi32>
        %add3A_308 = arith.addi %scan3A_305, %add3A_307 : vector<16xi32>
        %and3A = arith.constant 127 : i32
        %and3A_309 = vector.broadcast %and3A : i32 to vector<16xi32>
        %and3A_310 = arith.andi %add3A_308, %and3A_309 : vector<16xi32>
        %gather3A = tpu.vector_load_idx %arg14[%add3A_153, %and3A_310] : memref<128x128xf32, #tpu.memory_space<vmem>>[vector<16xi32>, vector<16xi32>], vector<16xf32>,
        %gather3A_311 = tpu.vector_load_idx %arg15[%add3A_153, %and3A_310] : memref<128x128xf32, #tpu.memory_space<vmem>>[vector<16xi32>, vector<16xi32>], vector<16xf32>,
        %gather3A_312 = tpu.vector_load_idx %arg16[%add3A_153, %and3A_310] : memref<128x128xf32, #tpu.memory_space<vmem>>[vector<16xi32>, vector<16xi32>], vector<16xf32>,
        %mul3A_313 = arith.mulf %gather3A, %gather3A : vector<16xf32>
        %add3A_314 = arith.addf %scan3A_300, %mul3A_313 : vector<16xf32>
        %mul3A_315 = arith.mulf %gather3A_311, %gather3A_311 : vector<16xf32>
        %add3A_316 = arith.addf %scan3A_301, %mul3A_315 : vector<16xf32>
        %mul3A_317 = arith.mulf %gather3A, %gather3A_312 : vector<16xf32>
        %add3A_318 = arith.addf %scan3A_302, %mul3A_317 : vector<16xf32>
        %mul3A_319 = arith.mulf %gather3A, %gather3A_311 : vector<16xf32>
        %add3A_320 = arith.addf %scan3A_303, %mul3A_319 : vector<16xf32>
        %mul3A_321 = arith.mulf %gather3A_312, %gather3A_311 : vector<16xf32>
        %add3A_322 = arith.addf %scan3A_304, %mul3A_321 : vector<16xf32>
        %add3A_323 = arith.constant 1 : i32
        %add3A_324 = vector.broadcast %add3A_323 : i32 to vector<16xi32>
        %add3A_325 = arith.addi %scan3A_305, %add3A_324 : vector<16xi32>
        %and3A_326 = arith.constant 127 : i32
        %and3A_327 = vector.broadcast %and3A_326 : i32 to vector<16xi32>
        %and3A_328 = arith.andi %add3A_325, %and3A_327 : vector<16xi32>
        %gather3A_329 = tpu.vector_load_idx %arg14[%add3A_153, %and3A_328] : memref<128x128xf32, #tpu.memory_space<vmem>>[vector<16xi32>, vector<16xi32>], vector<16xf32>,
        %gather3A_330 = tpu.vector_load_idx %arg15[%add3A_153, %and3A_328] : memref<128x128xf32, #tpu.memory_space<vmem>>[vector<16xi32>, vector<16xi32>], vector<16xf32>,
        %gather3A_331 = tpu.vector_load_idx %arg16[%add3A_153, %and3A_328] : memref<128x128xf32, #tpu.memory_space<vmem>>[vector<16xi32>, vector<16xi32>], vector<16xf32>,
        %mul3A_332 = arith.mulf %gather3A_329, %gather3A_329 : vector<16xf32>
        %add3A_333 = arith.addf %add3A_314, %mul3A_332 : vector<16xf32>
        %mul3A_334 = arith.mulf %gather3A_330, %gather3A_330 : vector<16xf32>
        %add3A_335 = arith.addf %add3A_316, %mul3A_334 : vector<16xf32>
        %mul3A_336 = arith.mulf %gather3A_329, %gather3A_331 : vector<16xf32>
        %add3A_337 = arith.addf %add3A_318, %mul3A_336 : vector<16xf32>
        %mul3A_338 = arith.mulf %gather3A_329, %gather3A_330 : vector<16xf32>
        %add3A_339 = arith.addf %add3A_320, %mul3A_338 : vector<16xf32>
        %mul3A_340 = arith.mulf %gather3A_331, %gather3A_330 : vector<16xf32>
        %add3A_341 = arith.addf %add3A_322, %mul3A_340 : vector<16xf32>
        %add3A_342 = arith.constant 2 : i32
        %add3A_343 = vector.broadcast %add3A_342 : i32 to vector<16xi32>
        %add3A_344 = arith.addi %scan3A_305, %add3A_343 : vector<16xi32>
        %and3A_345 = arith.constant 127 : i32
        %and3A_346 = vector.broadcast %and3A_345 : i32 to vector<16xi32>
        %and3A_347 = arith.andi %add3A_344, %and3A_346 : vector<16xi32>
        %gather3A_348 = tpu.vector_load_idx %arg14[%add3A_153, %and3A_347] : memref<128x128xf32, #tpu.memory_space<vmem>>[vector<16xi32>, vector<16xi32>], vector<16xf32>,
        %gather3A_349 = tpu.vector_load_idx %arg15[%add3A_153, %and3A_347] : memref<128x128xf32, #tpu.memory_space<vmem>>[vector<16xi32>, vector<16xi32>], vector<16xf32>,
        %gather3A_350 = tpu.vector_load_idx %arg16[%add3A_153, %and3A_347] : memref<128x128xf32, #tpu.memory_space<vmem>>[vector<16xi32>, vector<16xi32>], vector<16xf32>,
        %mul3A_351 = arith.mulf %gather3A_348, %gather3A_348 : vector<16xf32>
        %add3A_352 = arith.addf %add3A_333, %mul3A_351 : vector<16xf32>
        %mul3A_353 = arith.mulf %gather3A_349, %gather3A_349 : vector<16xf32>
        %add3A_354 = arith.addf %add3A_335, %mul3A_353 : vector<16xf32>
        %mul3A_355 = arith.mulf %gather3A_348, %gather3A_350 : vector<16xf32>
        %add3A_356 = arith.addf %add3A_337, %mul3A_355 : vector<16xf32>
        %mul3A_357 = arith.mulf %gather3A_348, %gather3A_349 : vector<16xf32>
        %add3A_358 = arith.addf %add3A_339, %mul3A_357 : vector<16xf32>
        %mul3A_359 = arith.mulf %gather3A_350, %gather3A_349 : vector<16xf32>
        %add3A_360 = arith.addf %add3A_341, %mul3A_359 : vector<16xf32>
        %add3A_361 = arith.constant 3 : i32
        %add3A_362 = vector.broadcast %add3A_361 : i32 to vector<16xi32>
        %add3A_363 = arith.addi %scan3A_305, %add3A_362 : vector<16xi32>
        %and3A_364 = arith.constant 127 : i32
        %and3A_365 = vector.broadcast %and3A_364 : i32 to vector<16xi32>
        %and3A_366 = arith.andi %add3A_363, %and3A_365 : vector<16xi32>
        %gather3A_367 = tpu.vector_load_idx %arg14[%add3A_153, %and3A_366] : memref<128x128xf32, #tpu.memory_space<vmem>>[vector<16xi32>, vector<16xi32>], vector<16xf32>,
        %gather3A_368 = tpu.vector_load_idx %arg15[%add3A_153, %and3A_366] : memref<128x128xf32, #tpu.memory_space<vmem>>[vector<16xi32>, vector<16xi32>], vector<16xf32>,
        %gather3A_369 = tpu.vector_load_idx %arg16[%add3A_153, %and3A_366] : memref<128x128xf32, #tpu.memory_space<vmem>>[vector<16xi32>, vector<16xi32>], vector<16xf32>,
        %mul3A_370 = arith.mulf %gather3A_367, %gather3A_367 : vector<16xf32>
        %add3A_371 = arith.addf %add3A_352, %mul3A_370 : vector<16xf32>
        %mul3A_372 = arith.mulf %gather3A_368, %gather3A_368 : vector<16xf32>
        %add3A_373 = arith.addf %add3A_354, %mul3A_372 : vector<16xf32>
        %mul3A_374 = arith.mulf %gather3A_367, %gather3A_369 : vector<16xf32>
        %add3A_375 = arith.addf %add3A_356, %mul3A_374 : vector<16xf32>
        %mul3A_376 = arith.mulf %gather3A_367, %gather3A_368 : vector<16xf32>
        %add3A_377 = arith.addf %add3A_358, %mul3A_376 : vector<16xf32>
        %mul3A_378 = arith.mulf %gather3A_369, %gather3A_368 : vector<16xf32>
        %add3A_379 = arith.addf %add3A_360, %mul3A_378 : vector<16xf32>
        %add3A_380 = arith.constant 4 : i32
        %add3A_381 = vector.broadcast %add3A_380 : i32 to vector<16xi32>
        %add3A_382 = arith.addi %scan3A_305, %add3A_381 : vector<16xi32>
        %and3A_383 = arith.constant 127 : i32
        %and3A_384 = vector.broadcast %and3A_383 : i32 to vector<16xi32>
        %and3A_385 = arith.andi %add3A_382, %and3A_384 : vector<16xi32>
        %gather3A_386 = tpu.vector_load_idx %arg14[%add3A_153, %and3A_385] : memref<128x128xf32, #tpu.memory_space<vmem>>[vector<16xi32>, vector<16xi32>], vector<16xf32>,
        %gather3A_387 = tpu.vector_load_idx %arg15[%add3A_153, %and3A_385] : memref<128x128xf32, #tpu.memory_space<vmem>>[vector<16xi32>, vector<16xi32>], vector<16xf32>,
        %gather3A_388 = tpu.vector_load_idx %arg16[%add3A_153, %and3A_385] : memref<128x128xf32, #tpu.memory_space<vmem>>[vector<16xi32>, vector<16xi32>], vector<16xf32>,
        %mul3A_389 = arith.mulf %gather3A_386, %gather3A_386 : vector<16xf32>
        %add3A_390 = arith.addf %add3A_371, %mul3A_389 : vector<16xf32>
        %mul3A_391 = arith.mulf %gather3A_387, %gather3A_387 : vector<16xf32>
        %add3A_392 = arith.addf %add3A_373, %mul3A_391 : vector<16xf32>
        %mul3A_393 = arith.mulf %gather3A_386, %gather3A_388 : vector<16xf32>
        %add3A_394 = arith.addf %add3A_375, %mul3A_393 : vector<16xf32>
        %mul3A_395 = arith.mulf %gather3A_386, %gather3A_387 : vector<16xf32>
        %add3A_396 = arith.addf %add3A_377, %mul3A_395 : vector<16xf32>
        %mul3A_397 = arith.mulf %gather3A_388, %gather3A_387 : vector<16xf32>
        %add3A_398 = arith.addf %add3A_379, %mul3A_397 : vector<16xf32>
        %add3A_399 = arith.constant 5 : i32
        %add3A_400 = vector.broadcast %add3A_399 : i32 to vector<16xi32>
        %add3A_401 = arith.addi %scan3A_305, %add3A_400 : vector<16xi32>
        %and3A_402 = arith.constant 127 : i32
        %and3A_403 = vector.broadcast %and3A_402 : i32 to vector<16xi32>
        %and3A_404 = arith.andi %add3A_401, %and3A_403 : vector<16xi32>
        %gather3A_405 = tpu.vector_load_idx %arg14[%add3A_153, %and3A_404] : memref<128x128xf32, #tpu.memory_space<vmem>>[vector<16xi32>, vector<16xi32>], vector<16xf32>,
        %gather3A_406 = tpu.vector_load_idx %arg15[%add3A_153, %and3A_404] : memref<128x128xf32, #tpu.memory_space<vmem>>[vector<16xi32>, vector<16xi32>], vector<16xf32>,
        %gather3A_407 = tpu.vector_load_idx %arg16[%add3A_153, %and3A_404] : memref<128x128xf32, #tpu.memory_space<vmem>>[vector<16xi32>, vector<16xi32>], vector<16xf32>,
        %mul3A_408 = arith.mulf %gather3A_405, %gather3A_405 : vector<16xf32>
        %add3A_409 = arith.addf %add3A_390, %mul3A_408 : vector<16xf32>
        %mul3A_410 = arith.mulf %gather3A_406, %gather3A_406 : vector<16xf32>
        %add3A_411 = arith.addf %add3A_392, %mul3A_410 : vector<16xf32>
        %mul3A_412 = arith.mulf %gather3A_405, %gather3A_407 : vector<16xf32>
        %add3A_413 = arith.addf %add3A_394, %mul3A_412 : vector<16xf32>
        %mul3A_414 = arith.mulf %gather3A_405, %gather3A_406 : vector<16xf32>
        %add3A_415 = arith.addf %add3A_396, %mul3A_414 : vector<16xf32>
        %mul3A_416 = arith.mulf %gather3A_407, %gather3A_406 : vector<16xf32>
        %add3A_417 = arith.addf %add3A_398, %mul3A_416 : vector<16xf32>
        %add3A_418 = arith.constant 6 : i32
        %add3A_419 = vector.broadcast %add3A_418 : i32 to vector<16xi32>
        %add3A_420 = arith.addi %scan3A_305, %add3A_419 : vector<16xi32>
        %and3A_421 = arith.constant 127 : i32
        %and3A_422 = vector.broadcast %and3A_421 : i32 to vector<16xi32>
        %and3A_423 = arith.andi %add3A_420, %and3A_422 : vector<16xi32>
        %gather3A_424 = tpu.vector_load_idx %arg14[%add3A_153, %and3A_423] : memref<128x128xf32, #tpu.memory_space<vmem>>[vector<16xi32>, vector<16xi32>], vector<16xf32>,
        %gather3A_425 = tpu.vector_load_idx %arg15[%add3A_153, %and3A_423] : memref<128x128xf32, #tpu.memory_space<vmem>>[vector<16xi32>, vector<16xi32>], vector<16xf32>,
        %gather3A_426 = tpu.vector_load_idx %arg16[%add3A_153, %and3A_423] : memref<128x128xf32, #tpu.memory_space<vmem>>[vector<16xi32>, vector<16xi32>], vector<16xf32>,
        %mul3A_427 = arith.mulf %gather3A_424, %gather3A_424 : vector<16xf32>
        %add3A_428 = arith.addf %add3A_409, %mul3A_427 : vector<16xf32>
        %mul3A_429 = arith.mulf %gather3A_425, %gather3A_425 : vector<16xf32>
        %add3A_430 = arith.addf %add3A_411, %mul3A_429 : vector<16xf32>
        %mul3A_431 = arith.mulf %gather3A_424, %gather3A_426 : vector<16xf32>
        %add3A_432 = arith.addf %add3A_413, %mul3A_431 : vector<16xf32>
        %mul3A_433 = arith.mulf %gather3A_424, %gather3A_425 : vector<16xf32>
        %add3A_434 = arith.addf %add3A_415, %mul3A_433 : vector<16xf32>
        %mul3A_435 = arith.mulf %gather3A_426, %gather3A_425 : vector<16xf32>
        %add3A_436 = arith.addf %add3A_417, %mul3A_435 : vector<16xf32>
        %add3A_437 = arith.constant 7 : i32
        %add3A_438 = vector.broadcast %add3A_437 : i32 to vector<16xi32>
        %add3A_439 = arith.addi %scan3A_305, %add3A_438 : vector<16xi32>
        %and3A_440 = arith.constant 127 : i32
        %and3A_441 = vector.broadcast %and3A_440 : i32 to vector<16xi32>
        %and3A_442 = arith.andi %add3A_439, %and3A_441 : vector<16xi32>
        %gather3A_443 = tpu.vector_load_idx %arg14[%add3A_153, %and3A_442] : memref<128x128xf32, #tpu.memory_space<vmem>>[vector<16xi32>, vector<16xi32>], vector<16xf32>,
        %gather3A_444 = tpu.vector_load_idx %arg15[%add3A_153, %and3A_442] : memref<128x128xf32, #tpu.memory_space<vmem>>[vector<16xi32>, vector<16xi32>], vector<16xf32>,
        %gather3A_445 = tpu.vector_load_idx %arg16[%add3A_153, %and3A_442] : memref<128x128xf32, #tpu.memory_space<vmem>>[vector<16xi32>, vector<16xi32>], vector<16xf32>,
        %mul3A_446 = arith.mulf %gather3A_443, %gather3A_443 : vector<16xf32>
        %add3A_447 = arith.addf %add3A_428, %mul3A_446 : vector<16xf32>
        %mul3A_448 = arith.mulf %gather3A_444, %gather3A_444 : vector<16xf32>
        %add3A_449 = arith.addf %add3A_430, %mul3A_448 : vector<16xf32>
        %mul3A_450 = arith.mulf %gather3A_443, %gather3A_445 : vector<16xf32>
        %add3A_451 = arith.addf %add3A_432, %mul3A_450 : vector<16xf32>
        %mul3A_452 = arith.mulf %gather3A_443, %gather3A_444 : vector<16xf32>
        %add3A_453 = arith.addf %add3A_434, %mul3A_452 : vector<16xf32>
        %mul3A_454 = arith.mulf %gather3A_445, %gather3A_444 : vector<16xf32>
        %add3A_455 = arith.addf %add3A_436, %mul3A_454 : vector<16xf32>
        %add3A_456 = arith.constant 8 : i32
        %add3A_457 = vector.broadcast %add3A_456 : i32 to vector<16xi32>
        %add3A_458 = arith.addi %scan3A_305, %add3A_457 : vector<16xi32>
        scf.yield %add3A_447, %add3A_449, %add3A_451, %add3A_453, %add3A_455, %add3A_458 : vector<16xf32>, vector<16xf32>, vector<16xf32>, vector<16xf32>, vector<16xf32>, vector<16xi32>
      }
      %scan3A_160 = arith.constant 16 : i32
      %max3A = arith.constant 1.000000e-24 : f32
      %max3A_161 = vector.broadcast %max3A : f32 to vector<16xf32>
      %max3A_162 = arith.maximumf %scan3A_159#0, %max3A_161 : vector<16xf32>
      %bitcast3A = vector.bitcast %max3A_162 : vector<16xf32> to vector<16xi32>
      %broadcast_in_dim3A_163 = arith.constant 1597463007 : i32
      %broadcast_in_dim3A_164 = vector.broadcast %broadcast_in_dim3A_163 : i32 to vector<16xi32>
      %shift_right_arithmetic3A = arith.constant 1 : i32
      %shift_right_arithmetic3A_165 = vector.broadcast %shift_right_arithmetic3A : i32 to vector<16xi32>
      %shift_right_arithmetic3A_166 = arith.shrsi %bitcast3A, %shift_right_arithmetic3A_165 : vector<16xi32>
      %sub3A = arith.subi %broadcast_in_dim3A_164, %shift_right_arithmetic3A_166 : vector<16xi32>
      %bitcast3A_167 = vector.bitcast %sub3A : vector<16xi32> to vector<16xf32>
      %mul3A_168 = arith.constant 5.000000e-01 : f32
      %mul3A_169 = vector.broadcast %mul3A_168 : f32 to vector<16xf32>
      %mul3A_170 = arith.mulf %mul3A_169, %max3A_162 : vector<16xf32>
      %mul3A_171 = arith.mulf %mul3A_170, %bitcast3A_167 : vector<16xf32>
      %mul3A_172 = arith.mulf %mul3A_171, %bitcast3A_167 : vector<16xf32>
      %sub3A_173 = arith.constant 1.500000e+00 : f32
      %sub3A_174 = vector.broadcast %sub3A_173 : f32 to vector<16xf32>
      %sub3A_175 = arith.subf %sub3A_174, %mul3A_172 : vector<16xf32>
      %mul3A_176 = arith.mulf %bitcast3A_167, %sub3A_175 : vector<16xf32>
      %mul3A_177 = arith.constant 5.000000e-01 : f32
      %mul3A_178 = vector.broadcast %mul3A_177 : f32 to vector<16xf32>
      %mul3A_179 = arith.mulf %mul3A_178, %max3A_162 : vector<16xf32>
      %mul3A_180 = arith.mulf %mul3A_179, %mul3A_176 : vector<16xf32>
      %mul3A_181 = arith.mulf %mul3A_180, %mul3A_176 : vector<16xf32>
      %sub3A_182 = arith.constant 1.500000e+00 : f32
      %sub3A_183 = vector.broadcast %sub3A_182 : f32 to vector<16xf32>
      %sub3A_184 = arith.subf %sub3A_183, %mul3A_181 : vector<16xf32>
      %mul3A_185 = arith.mulf %mul3A_176, %sub3A_184 : vector<16xf32>
      %mul3A_186 = arith.constant 5.000000e-01 : f32
      %mul3A_187 = vector.broadcast %mul3A_186 : f32 to vector<16xf32>
      %mul3A_188 = arith.mulf %mul3A_187, %max3A_162 : vector<16xf32>
      %mul3A_189 = arith.mulf %mul3A_188, %mul3A_185 : vector<16xf32>
      %mul3A_190 = arith.mulf %mul3A_189, %mul3A_185 : vector<16xf32>
      %sub3A_191 = arith.constant 1.500000e+00 : f32
      %sub3A_192 = vector.broadcast %sub3A_191 : f32 to vector<16xf32>
      %sub3A_193 = arith.subf %sub3A_192, %mul3A_190 : vector<16xf32>
      %mul3A_194 = arith.mulf %mul3A_185, %sub3A_193 : vector<16xf32>
      %max3A_195 = arith.constant 1.000000e-24 : f32
      %max3A_196 = vector.broadcast %max3A_195 : f32 to vector<16xf32>
      %max3A_197 = arith.maximumf %scan3A_159#1, %max3A_196 : vector<16xf32>
      %bitcast3A_198 = vector.bitcast %max3A_197 : vector<16xf32> to vector<16xi32>
      %broadcast_in_dim3A_199 = arith.constant 1597463007 : i32
      %broadcast_in_dim3A_200 = vector.broadcast %broadcast_in_dim3A_199 : i32 to vector<16xi32>
      %shift_right_arithmetic3A_201 = arith.constant 1 : i32
      %shift_right_arithmetic3A_202 = vector.broadcast %shift_right_arithmetic3A_201 : i32 to vector<16xi32>
      %shift_right_arithmetic3A_203 = arith.shrsi %bitcast3A_198, %shift_right_arithmetic3A_202 : vector<16xi32>
      %sub3A_204 = arith.subi %broadcast_in_dim3A_200, %shift_right_arithmetic3A_203 : vector<16xi32>
      %bitcast3A_205 = vector.bitcast %sub3A_204 : vector<16xi32> to vector<16xf32>
      %mul3A_206 = arith.constant 5.000000e-01 : f32
      %mul3A_207 = vector.broadcast %mul3A_206 : f32 to vector<16xf32>
      %mul3A_208 = arith.mulf %mul3A_207, %max3A_197 : vector<16xf32>
      %mul3A_209 = arith.mulf %mul3A_208, %bitcast3A_205 : vector<16xf32>
      %mul3A_210 = arith.mulf %mul3A_209, %bitcast3A_205 : vector<16xf32>
      %sub3A_211 = arith.constant 1.500000e+00 : f32
      %sub3A_212 = vector.broadcast %sub3A_211 : f32 to vector<16xf32>
      %sub3A_213 = arith.subf %sub3A_212, %mul3A_210 : vector<16xf32>
      %mul3A_214 = arith.mulf %bitcast3A_205, %sub3A_213 : vector<16xf32>
      %mul3A_215 = arith.constant 5.000000e-01 : f32
      %mul3A_216 = vector.broadcast %mul3A_215 : f32 to vector<16xf32>
      %mul3A_217 = arith.mulf %mul3A_216, %max3A_197 : vector<16xf32>
      %mul3A_218 = arith.mulf %mul3A_217, %mul3A_214 : vector<16xf32>
      %mul3A_219 = arith.mulf %mul3A_218, %mul3A_214 : vector<16xf32>
      %sub3A_220 = arith.constant 1.500000e+00 : f32
      %sub3A_221 = vector.broadcast %sub3A_220 : f32 to vector<16xf32>
      %sub3A_222 = arith.subf %sub3A_221, %mul3A_219 : vector<16xf32>
      %mul3A_223 = arith.mulf %mul3A_214, %sub3A_222 : vector<16xf32>
      %mul3A_224 = arith.constant 5.000000e-01 : f32
      %mul3A_225 = vector.broadcast %mul3A_224 : f32 to vector<16xf32>
      %mul3A_226 = arith.mulf %mul3A_225, %max3A_197 : vector<16xf32>
      %mul3A_227 = arith.mulf %mul3A_226, %mul3A_223 : vector<16xf32>
      %mul3A_228 = arith.mulf %mul3A_227, %mul3A_223 : vector<16xf32>
      %sub3A_229 = arith.constant 1.500000e+00 : f32
      %sub3A_230 = vector.broadcast %sub3A_229 : f32 to vector<16xf32>
      %sub3A_231 = arith.subf %sub3A_230, %mul3A_228 : vector<16xf32>
      %mul3A_232 = arith.mulf %mul3A_223, %sub3A_231 : vector<16xf32>
      %mul3A_233 = arith.mulf %scan3A_159#0, %mul3A_194 : vector<16xf32>
      %mul3A_234 = arith.mulf %mul3A_233, %mul3A_194 : vector<16xf32>
      %mul3A_235 = arith.mulf %scan3A_159#1, %mul3A_232 : vector<16xf32>
      %mul3A_236 = arith.mulf %mul3A_235, %mul3A_232 : vector<16xf32>
      %add3A_237 = arith.addf %mul3A_234, %mul3A_236 : vector<16xf32>
      %add3A_238 = arith.constant 1.000000e+00 : f32
      %add3A_239 = vector.broadcast %add3A_238 : f32 to vector<16xf32>
      %add3A_240 = arith.addf %add3A_237, %add3A_239 : vector<16xf32>
      %mul3A_241 = arith.mulf %scan3A_159#2, %mul3A_194 : vector<16xf32>
      %mul3A_242 = arith.mulf %mul3A_194, %mul3A_232 : vector<16xf32>
      %mul3A_243 = arith.mulf %scan3A_159#3, %mul3A_242 : vector<16xf32>
      %sub3A_244 = arith.subf %mul3A_241, %mul3A_243 : vector<16xf32>
      %mul3A_245 = arith.mulf %scan3A_159#4, %mul3A_232 : vector<16xf32>
      %sub3A_246 = arith.subf %sub3A_244, %mul3A_245 : vector<16xf32>
      %mul3A_247 = arith.constant 2.000000e+00 : f32
      %mul3A_248 = vector.broadcast %mul3A_247 : f32 to vector<16xf32>
      %mul3A_249 = arith.mulf %mul3A_248, %sub3A_246 : vector<16xf32>
      %add3A_250 = arith.addf %add3A_240, %mul3A_249 : vector<16xf32>
      %max3A_251 = arith.constant 0.000000e+00 : f32
      %max3A_252 = vector.broadcast %max3A_251 : f32 to vector<16xf32>
      %max3A_253 = arith.maximumf %add3A_250, %max3A_252 : vector<16xf32>
      %max3A_254 = arith.constant 1.000000e-30 : f32
      %max3A_255 = vector.broadcast %max3A_254 : f32 to vector<16xf32>
      %max3A_256 = arith.maximumf %max3A_253, %max3A_255 : vector<16xf32>
      %bitcast3A_257 = vector.bitcast %max3A_256 : vector<16xf32> to vector<16xi32>
      %broadcast_in_dim3A_258 = arith.constant 1597463007 : i32
      %broadcast_in_dim3A_259 = vector.broadcast %broadcast_in_dim3A_258 : i32 to vector<16xi32>
      %shift_right_arithmetic3A_260 = arith.constant 1 : i32
      %shift_right_arithmetic3A_261 = vector.broadcast %shift_right_arithmetic3A_260 : i32 to vector<16xi32>
      %shift_right_arithmetic3A_262 = arith.shrsi %bitcast3A_257, %shift_right_arithmetic3A_261 : vector<16xi32>
      %sub3A_263 = arith.subi %broadcast_in_dim3A_259, %shift_right_arithmetic3A_262 : vector<16xi32>
      %bitcast3A_264 = vector.bitcast %sub3A_263 : vector<16xi32> to vector<16xf32>
      %mul3A_265 = arith.constant 5.000000e-01 : f32
      %mul3A_266 = vector.broadcast %mul3A_265 : f32 to vector<16xf32>
      %mul3A_267 = arith.mulf %mul3A_266, %max3A_256 : vector<16xf32>
      %mul3A_268 = arith.mulf %mul3A_267, %bitcast3A_264 : vector<16xf32>
      %mul3A_269 = arith.mulf %mul3A_268, %bitcast3A_264 : vector<16xf32>
      %sub3A_270 = arith.constant 1.500000e+00 : f32
      %sub3A_271 = vector.broadcast %sub3A_270 : f32 to vector<16xf32>
      %sub3A_272 = arith.subf %sub3A_271, %mul3A_269 : vector<16xf32>
      %mul3A_273 = arith.mulf %bitcast3A_264, %sub3A_272 : vector<16xf32>
      %mul3A_274 = arith.constant 5.000000e-01 : f32
      %mul3A_275 = vector.broadcast %mul3A_274 : f32 to vector<16xf32>
      %mul3A_276 = arith.mulf %mul3A_275, %max3A_256 : vector<16xf32>
      %mul3A_277 = arith.mulf %mul3A_276, %mul3A_273 : vector<16xf32>
      %mul3A_278 = arith.mulf %mul3A_277, %mul3A_273 : vector<16xf32>
      %sub3A_279 = arith.constant 1.500000e+00 : f32
      %sub3A_280 = vector.broadcast %sub3A_279 : f32 to vector<16xf32>
      %sub3A_281 = arith.subf %sub3A_280, %mul3A_278 : vector<16xf32>
      %mul3A_282 = arith.mulf %mul3A_273, %sub3A_281 : vector<16xf32>
      %mul3A_283 = arith.constant 5.000000e-01 : f32
      %mul3A_284 = vector.broadcast %mul3A_283 : f32 to vector<16xf32>
      %mul3A_285 = arith.mulf %mul3A_284, %max3A_256 : vector<16xf32>
      %mul3A_286 = arith.mulf %mul3A_285, %mul3A_282 : vector<16xf32>
      %mul3A_287 = arith.mulf %mul3A_286, %mul3A_282 : vector<16xf32>
      %sub3A_288 = arith.constant 1.500000e+00 : f32
      %sub3A_289 = vector.broadcast %sub3A_288 : f32 to vector<16xf32>
      %sub3A_290 = arith.subf %sub3A_289, %mul3A_287 : vector<16xf32>
      %mul3A_291 = arith.mulf %mul3A_282, %sub3A_290 : vector<16xf32>
      %mul3A_292 = arith.mulf %max3A_253, %mul3A_291 : vector<16xf32>
      %mul3A_293 = arith.constant 16 : i32
      %mul3A_294 = arith.muli %scan3A_148, %mul3A_293 : i32
      %add3A_295 = arith.constant 384 : i32
      %add3A_296 = arith.addi %add3A_295, %mul3A_294 : i32
      %swap3A = arith.index_cast %add3A_296 : i32 to index
      %swap3A_297 = tpu.vector_load %arg17[%swap3A] {strides = array<i32>} : memref<512xf32, #tpu.memory_space<vmem>>, vector<16xf32>,
      tpu.vector_store %arg17[%swap3A], %mul3A_292 {strides = array<i32>} : memref<512xf32, #tpu.memory_space<vmem>>, vector<16xf32>,
      %scan3A_298 = arith.constant 0 : i32
      scf.yield %scan3A_298 : i32
    }
    %scan3A_147 = arith.constant 8 : i32
    "tpu.region"() ({
      %run_scoped3A = tpu.sem_alloc : memref<!tpu.dma_semaphore, #tpu.memory_space<semaphore_mem>>
      %dma_start3A_148 = tpu.memref_slice %arg7[%mul3A_2] : memref<16384xf32, #tpu.memory_space<hbm>> -> memref<512xf32, #tpu.memory_space<hbm>>
      %dma_start3A_149 = tpu.memref_slice %arg7[%mul3A_2] : memref<16384xf32, #tpu.memory_space<hbm>> -> memref<512xf32, #tpu.memory_space<hbm>>
      tpu.enqueue_dma source(%arg17 : memref<512xf32, #tpu.memory_space<vmem>>) target(%dma_start3A_149 : memref<512xf32, #tpu.memory_space<hbm>>) target_semaphore(%run_scoped3A : memref<!tpu.dma_semaphore, #tpu.memory_space<semaphore_mem>>)
      %dma_wait3A_150 = tpu.memref_slice %arg7[%mul3A_2] : memref<16384xf32, #tpu.memory_space<hbm>> -> memref<512xf32, #tpu.memory_space<hbm>>
      %dma_wait3A_151 = tpu.memref_slice %arg7[%mul3A_2] : memref<16384xf32, #tpu.memory_space<hbm>> -> memref<512xf32, #tpu.memory_space<hbm>>
      tpu.wait_dma2 semaphore(%run_scoped3A : memref<!tpu.dma_semaphore, #tpu.memory_space<semaphore_mem>>) src(%arg17 : memref<512xf32, #tpu.memory_space<vmem>>) dst(%dma_wait3A_151 : memref<512xf32, #tpu.memory_space<hbm>>)
      tpu.yield
    }) : () -> ()
    return
  }
}

</mosaic_0001>

<sc_bundles>
// kernel: kernel.3.cloned.1.call-start
scs
__scs_entry_jumppad:
0x0: {  	(pc) =	sbr.rel $0x88, $3  }
0x1: {  	(tag) =	ssettag $0x0;
	lr =	simm.s32 $0x1  }
0x2: {  	[smem:$0x3F9E] =	sst lr;
	_ =	strace $0xD0000000  }
0x3: {  	_ = 	snop  }
0x4: {  	_ = 	snop  }
0x5: {  	_ = 	snop  }
0x6: {  	_ = 	snop  }
0x7: {  	_ = 	snop  }
__scs_overlays_trampoline_lowered:
0x8: {  	[smem:$0x3FAD] =	sst s0  }
0x9: {  	[smem:$0x3FAE] =	sst s1  }
0xa: {  	[smem:$0x3FAF] =	sst s2  }
0xb: {  	[smem:$0x3FB0] =	sst s3  }
0xc: {  	[smem:$0x3FB1] =	sst s4  }
0xd: {  	[smem:$0x3FB2] =	sst s5  }
0xe: {  	[smem:$0x3FB3] =	sst s6  }
0xf: {  	[smem:$0x3FB4] =	sst s7  }
0x10: {  	[smem:$0x3FB5] =	sst s8  }
0x11: {  	[smem:$0x3FB6] =	sst s9;
	s0 =	simm.s32 @!p0 $0x0  }
0x12: {  	s1 =	sld [smem:$0x3F9C];
	s0 =	simm.s32 @p0 $0x1  }
0x13: {  	[smem:$0x3FB7] =	sst s0;
	s0 =	simm.s32 @!p1 $0x0  }
0x14: {  	s2 =	sld [smem:$0x3F9B];
	s0 =	simm.s32 @p1 $0x1  }
0x15: {  	[smem:$0x3FB8] =	sst s0;
	s0 =	simm.s32 @!p2 $0x0  }
0x16: {  	s3 =	sld [smem:$0x3FDB];
	s0 =	simm.s32 @p2 $0x1  }
0x17: {  	s4 =	simm.s32 $0x1BF5;
	[smem:$0x3FBA] =	sst s0  }
0x18: {  	s0 =	sld [smem:$0x3F9D];
	_ =	swait.ge [sflag:s4], $0x0  }
0x19: {  	s7 =	sld [smem:$0x3F9E]  }
0x1a: {  	s8 =	sadd.s32 $0xFFFFE003, lr  }
0x1b: {  	s9 =	sadd.s32 $0xFFFFFEF7, lr;
	s5 =	simm.s32 $0xFFFFFFFF;
	p2 =	slt.u32 s8, $0xFFFFF086  }
0x1c: {  	p1 =	slt.u32 s9, $0xF7A;
	s5 =	simm.s32 @!p2 $0x0  }
0x1d: {  	s5 =	simm.s32 @p1 $0x1;
	p0 =	seq.s32 s7, s2  }
0x1e: {  	s7 =	smul.u32 @!p0 $0xF7A, s2;
	p2 =	seq.s32 @!p0 s5, $0x0  }
0x1f: {  	s9 =	smul.u32 $0xF7A, s1;
	s8 =	simm.s32 @!p0 $0x1BF5;
	p2 =	por !p2, p0  }
0x20: {  	[sflag:s8] =	ssyncset.s32 @!p0 $0xFFFFF086;
	s6 =	sadd.s32 @!p0 s3, s7;
	s7 =	simm.s32 @!p0 $0x108  }
0x21: {  	s3 =	sadd.s32 s3, s9;
	s6 =	sadd.s32 @!p0 $0x88, s6;
	s7 =	simm.s32 @p2 $0x1082  }
0x22: {  	[simem:s7], [sflag:s8] =	dma.local @!p0 [hbm:s6], $0xF7A  }
0x23: {  	s9 =	sor.u32 $0xD0000000, s2;
	s6 =	simm.s32 $0x108;
	_ =	swait.ge @!p0 [sflag:s8], $0x0  }
0x24: {  	s3 =	sadd.s32 $0x88, s3;
	s6 =	simm.s32 @!p1 $0x1082;
	[sflag:s4] =	ssyncset.s32 $0xFFFFF086  }
0x25: {  	[simem:s6], [sflag:s4] =	dma.local [hbm:s3], $0xF7A  }
0x26: {  	[smem:$0x3F9E] =	sst s1;
	(tag) =	ssettag s2;
	_ =	strace s9  }
0x27: {  	s1 =	sld [smem:$0x3FAE]  }
0x28: {  	s2 =	sld [smem:$0x3FAF]  }
0x29: {  	s4 =	sld [smem:$0x3FB1]  }
0x2a: {  	p0 =	seq.s32 s5, $0x0;
	s5 =	sld [smem:$0x3FB2]  }
0x2b: {  	s6 =	sld [smem:$0x3FB3]  }
0x2c: {  	s7 =	sld [smem:$0x3FB4]  }
0x2d: {  	s3 =	simm.s32 $0x108;
	s8 =	sld [smem:$0x3FB5]  }
0x2e: {  	s3 =	simm.s32 @!p0 $0x1082;
	s9 =	sld [smem:$0x3FB6]  }
0x2f: {  	lr =	sadd.s32 s0, s3;
	s0 =	sld [smem:$0x3FAD]  }
0x30: {  	s3 =	sld [smem:$0x3FB0]  }
0x31: {  	[smem:$0x3FB9] =	sst s10  }
0x32: {  	s10 =	sld [smem:$0x3FB7];
	_ =	sdelay $0x3  }
0x33: {  	p0 =	seq.s32 s10, $0x1;
	s10 =	sld [smem:$0x3FB9];
	_ =	sdelay $0x3  }
0x34: {  	[smem:$0x3FB9] =	sst s10  }
0x35: {  	s10 =	sld [smem:$0x3FB8];
	_ =	sdelay $0x3  }
0x36: {  	p1 =	seq.s32 s10, $0x1;
	s10 =	sld [smem:$0x3FB9];
	_ =	sdelay $0x3  }
0x37: {  	[smem:$0x3FB9] =	sst s10  }
0x38: {  	s10 =	sld [smem:$0x3FBA]  }
0x39: {  	_ = 	snop;
	(pc) =	sbr.ind lr, $3  }
0x3a: {  	_ = 	snop  }
0x3b: {  	_ = 	snop  }
0x3c: {  	p2 =	seq.s32 s10, $0x1;
	s10 =	sld [smem:$0x3FB9]  }
0x3d: {  	_ =	shalt  }
0x3e: {  	_ =	shalt  }
0x3f: {  	_ =	shalt  }
0x40: {  	_ =	shalt  }
0x41: {  	_ =	shalt  }
0x42: {  	_ =	shalt  }
0x43: {  	_ =	shalt  }
0x44: {  	_ =	shalt  }
0x45: {  	_ =	shalt  }
0x46: {  	_ =	shalt  }
0x47: {  	_ =	shalt  }
0x48: {  	_ =	shalt  }
0x49: {  	_ =	shalt  }
0x4a: {  	_ =	shalt  }
0x4b: {  	_ =	shalt  }
0x4c: {  	_ =	shalt  }
0x4d: {  	_ =	shalt  }
0x4e: {  	_ =	shalt  }
0x4f: {  	_ =	shalt  }
0x50: {  	_ =	shalt  }
0x51: {  	_ =	shalt  }
0x52: {  	_ =	shalt  }
0x53: {  	_ =	shalt  }
0x54: {  	_ =	shalt  }
0x55: {  	_ =	shalt  }
0x56: {  	_ =	shalt  }
0x57: {  	_ =	shalt  }
0x58: {  	_ =	shalt  }
0x59: {  	_ =	shalt  }
0x5a: {  	_ =	shalt  }
0x5b: {  	_ =	shalt  }
0x5c: {  	_ =	shalt  }
0x5d: {  	_ =	shalt  }
0x5e: {  	_ =	shalt  }
0x5f: {  	_ =	shalt  }
0x60: {  	_ =	shalt  }
0x61: {  	_ =	shalt  }
0x62: {  	_ =	shalt  }
0x63: {  	_ =	shalt  }
0x64: {  	_ =	shalt  }
0x65: {  	_ =	shalt  }
0x66: {  	_ =	shalt  }
0x67: {  	_ =	shalt  }
0x68: {  	_ =	shalt  }
0x69: {  	_ =	shalt  }
0x6a: {  	_ =	shalt  }
0x6b: {  	_ =	shalt  }
0x6c: {  	_ =	shalt  }
0x6d: {  	_ =	shalt  }
0x6e: {  	_ =	shalt  }
0x6f: {  	_ =	shalt  }
0x70: {  	_ =	shalt  }
0x71: {  	_ =	shalt  }
0x72: {  	_ =	shalt  }
0x73: {  	_ =	shalt  }
0x74: {  	_ =	shalt  }
0x75: {  	_ =	shalt  }
0x76: {  	_ =	shalt  }
0x77: {  	_ =	shalt  }
0x78: {  	_ =	shalt  }
0x79: {  	_ =	shalt  }
0x7a: {  	_ =	shalt  }
0x7b: {  	_ =	shalt  }
0x7c: {  	_ =	shalt  }
0x7d: {  	_ =	shalt  }
0x7e: {  	_ =	shalt  }
0x7f: {  	_ =	shalt  }
0x80: {  	_ =	shalt  }
0x81: {  	_ =	shalt  }
0x82: {  	_ =	shalt  }
0x83: {  	_ =	shalt  }
0x84: {  	_ =	shalt  }
0x85: {  	_ =	shalt  }
0x86: {  	_ =	shalt  }
0x87: {  	_ =	shalt  }
.Lfunc_end0:
.L_simem_size_0:
called_computation_lowered:
.L_overlay_start_0:
0x88: {  	s2 =	sld [smem:$0x3FD9]  }
0x89: {  	s3 =	sld [smem:$0x3FFE];
	_ =	sdelay $0x1  }
0x8a: {  	s1 =	srdreg.scid  }
0x8b: {  	s0 =	sand.u32 $0x1, s1  }
0x8c: {  	s17 =	sshll.u32 s0, $0xA;
	s2 =	sadd.s32 s3, s2  }
0x8d: {  	s2 =	sadd.s32 s2, s17  }
0x8e: {  	[smem:$0x3FC5] =	sst s2  }
0x8f: {  	_ = 	snop  }
0x90: {  	s2 =	sld [smem:$0x3FC8]  }
0x91: {  	s18 =	sld [smem:$0x3FC7]  }
0x92: {  	s4 =	sld [smem:$0x3FD0];
	(tm) =	ssettm $0x1  }
0x93: {  	s5 =	sld [smem:$0x3FFB];
	_ =	sdelay $0x3  }
0x94: {  	_ =	strace s5  }
0x95: {  	s5 =	sld [smem:$0x3FFC];
	_ =	sdelay $0x3  }
0x96: {  	_ =	strace s5  }
0x97: {  	s5 =	sld [smem:$0x3FFD];
	_ =	sdelay $0x3  }
0x98: {  	_ =	strace s5  }
0x99: {  	_ =	strace $0x8FFFFFFF  }
0x9a: {  	s19 =	sld [smem:$0x3FDB];
	_ =	sdelay $0x1  }
0x9b: {  	s6 =	simm.s32 $_scs_section_size  }
0x9c: {  	s7 =	simm.s32 $_size__tile_overlayer_lowered;
	s8 =	simm.s32 $_tile_overlayer_lowered  }
0x9d: {  	s22 =	simm.s32 $0x1BFF;
	s21 =	sshll.u32 s8, $0x1;
	s5 =	sadd.s32 s6, s19  }
0x9e: {  	s9 =	simm.s32 $0x0;
	s20 =	sshll.u32 s7, $0x1;
	s7 =	sadd.s32 s21, s5  }
0x9f: {  	[timem:s9], [sflag:s22] =	dma.local [hbm:s7], s20  }
0xa0: {  	_ =	swait.ge [sflag:s22], s20  }
0xa1: {  	s6 =	ssub.s32 $0x0, s20;
	[sflag:s22] =	ssyncset.done $0x0  }
0xa2: {  	[sflag:s22] =	ssyncadd.s32 s6;
	_ =	sdelay $0x1  }
0xa3: {  	s23 =	simm.s32 $0x1B8B  }
0xa4: {  	_ =	swait.ge [sflag:s23], $0x1  }
0xa5: {  	[sflag:s23] =	ssyncset.done $0x0  }
0xa6: {  	s25 =	simm.s32 $0x1B8E;
	s24 =	sld [smem:$0x3FFE];
	[sflag:s23] =	ssyncadd.s32 $0xFFFFFFFF  }
0xa7: {  	s26 =	simm.s32 $execute0_lowered;
	[smem:$0x3FD2] =	sst s25  }
0xa8: {  	s7 =	sshll.u32 s26, $0x1;
	_ =	strace $0x80000046;
	[dreg:$0x1] =	wrdreg $0xFFFFFFFF  }
0xa9: {  	s28 =	simm.s32 $_size_execute0_lowered;
	s5 =	sadd.s32 s5, s7;
	[dreg:$0x0] =	wrdreg $0x0  }
0xaa: {  	s7 =	sshll.u32 s28, $0x1;
	[dreg:$0x2] =	wrdreg s5  }
0xab: {  	[dreg:$0x3] =	wrdreg s7  }
0xac: {  	[dreg:$0x4] =	wrdreg $0xC0  }
0xad: {  	_ =	task [dreg:s9], $0x5FFFF  }
0xae: {  	[dreg:$0x1] =	wrdreg $0xFFFFFFFF  }
0xaf: {  	[dreg:$0x0] =	wrdreg $0x60  }
0xb0: {  	[dreg:$0x2] =	wrdreg s24  }
0xb1: {  	[dreg:$0x3] =	wrdreg s2  }
0xb2: {  	[dreg:$0x4] =	wrdreg s18  }
0xb3: {  	[dreg:$0x5] =	wrdreg s4  }
0xb4: {  	[dreg:$0x6] =	wrdreg $0x9  }
0xb5: {  	_ =	task.clear_ibuf [dreg:s9], $0x7FFFF;
	_ =	strace $0x90000046  }
0xb6: {  	s29 =	simm.s32 $0x9;
	_ =	strace $0x80000048  }
0xb7: {  	_ =	swait.ge [sflag:s29], $0x1  }
0xb8: {  	[sflag:s29] =	ssyncadd.s32 $0xFFFFFFFF  }
0xb9: {  	_ =	strace $0x90000048  }
0xba: {  	_ =	sfence  }
0xbb: {  	s30 =	sld [smem:$0x0];
	_ =	sdelay $0x2  }
0xbc: {  	s31 =	sshll.u32 s1, $0xD;
	s1 =	sshrl.u32 s1, $0x2  }
0xbd: {  	s3 =	sand.u32 $0x4000, s31;
	s1 =	sadd.s32 s1, s30  }
0xbe: {  	s0 =	sor.u32 s3, s0;
	s1 =	sshll.u32 s1, $0x11  }
0xbf: {  	s0 =	sor.u32 s1, s0  }
0xc0: {  	s0 =	sadd.s32 $0x8F2B, s0  }
0xc1: {  	[sflag:s0] =	ssyncadd.remote.s32 $0x1  }
0xc2: {  	_ =	sfence.sel $0xFFFF  }
0xc3: {  	[dreg:$0x0] =	wrdreg $0xFFFFFFFF;
	(pc) =	sbr.abs _section_cstart, $3  }
0xc4: {  	[dreg:$0x1] =	wrdreg $0xFFFFFFFF  }
0xc5: {  	_ =	task.clear_ibuf [dreg:s9], $0x2FFFF;
	_ =	strace $0x9FFFFFFF  }
0xc6: {  	(tm) =	ssettm $0x7FFFFFFF  }
0xc7: {  	_ =	shalt  }
tec
execute0_lowered:
.L_overlay_start_1:
0x0: {  	(tag) =	ssettag $0x1  }
0x1: {  	s0 =	rddreg [dreg:$0x0]  }
0x2: {  	s1 =	rddreg [dreg:$0x1]  }
0x3: {  	s2 =	rddreg [dreg:$0x2]  }
0x4: {  	s3 =	rddreg [dreg:$0x3];
	s5 =	srdreg.scid;
	s4 =	simm.s32 $0x0  }
0x5: {  	s6 =	stileid.u32;
	s10 =	simm.s32 $0x3;
	s11 =	simm.s32 $0x200  }
0x6: {  	s12 =	simm.s32 $0x400;
	s13 =	simm.s32 $0x80;
	s14 =	simm.s32 $0x600  }
0x7: {  	s15 =	simm.s32 $0x4600;
	s16 =	simm.s32 $0x8600;
	s17 =	simm.s32 $0x1  }
0x8: {  	s18 =	simm.s32 $0xC600;
	s20 =	simm.s32 $0x10600;
	s22 =	simm.s32 $0x14600  }
0x9: {  	s23 =	simm.s32 $0x2;
	s24 =	simm.s32 $0x100;
	s25 =	simm.s32 $0x300  }
0xa: {  	s28 =	simm.s32 $0x180;
	s29 =	simm.s32 $0x380;
	s30 =	simm.s32 $0x580  }
0xb: {  	s31 =	simm.s32 $0x18600;
	s5 =	sand.u32 $0x1, s5;
	s6 =	sshll.u32 s6, $0x7  }
0xc: {  	[smem:$0x7FF] =	sst s4;
	s7 =	sshll.u32 s5, $0x6;
	s5 =	ssub.s32 $0x2, s5  }
0xd: {  	_ =	strace $0x80000047;
	s8 =	sor.u32 s7, s6;
	s26 =	sshrl.u32 s5, $0x1  }
0xe: {  	s0 =	sadd.s32 s8, s0;
	s9 =	ssub.s32 s5, s26;
	s8 =	sadd.s32 s3, s8  }
0xf: {  	s26 =	simm.s32 $0x500;
	s5 =	sadd.s32 $0x1600, s0;
	s6 =	sadd.s32 $0xE00, s0  }
0x10: {  	s7 =	sadd.s32 $0x600, s0;
	s9 =	smax.u32 s9, $0x1;
	s0 =	simm.s32 $0x0  }
.LBB2_1:
0x11: {  	[tilespmem:s4], [sflag:$0x3] =	stream.linear.gather [hbm4b:s5+s4], $0x200, $0x38;
	[tilespmem:$0x18800] =	vst v63  }
0x12: {  	_ =	swait.ge [sflag:s10], $0x200  }
0x13: {  	[sflag:s10] =	ssyncset.done $0x0  }
0x14: {  	[sflag:s10] =	ssyncadd.s32 $0xFFFFFE00  }
0x15: {  	[tilespmem:s11], [sflag:$0x3] =	stream.linear.gather [hbm4b:s6+s4], $0x200, $0x38;
	[tilespmem:$0x18800] =	vst v63  }
0x16: {  	_ =	swait.ge [sflag:s10], $0x200  }
0x17: {  	[sflag:s10] =	ssyncset.done $0x0  }
0x18: {  	[sflag:s10] =	ssyncadd.s32 $0xFFFFFE00  }
0x19: {  	[tilespmem:s12], [sflag:$0x3] =	stream.linear.gather [hbm4b:s7+s4], $0x200, $0x38;
	[tilespmem:$0x18800] =	vst v63  }
0x1a: {  	_ =	swait.ge [sflag:s10], $0x200  }
0x1b: {  	[sflag:s10] =	ssyncset.done $0x0  }
0x1c: {  	[sflag:s10] =	ssyncadd.s32 $0xFFFFFE00  }
0x1d: {  	[tilespmem:s14], [sflag:$0x1] =	stream.indirect.gather [hbm4b:s1+s13], $0x80, s4, s13, $0xb8;
	[tilespmem:$0x18800] =	vst v63  }
0x1e: {  	_ = 	snop  }
0x1f: {  	[tilespmem:s15], [sflag:$0x1] =	stream.indirect.gather [hbm4b:s1+s13], $0x80, s11, s13, $0xb8;
	[tilespmem:$0x18800] =	vst v63  }
0x20: {  	_ = 	snop  }
0x21: {  	[tilespmem:s16], [sflag:$0x1] =	stream.indirect.gather [hbm4b:s2+s13], $0x80, s12, s13, $0xb8;
	[tilespmem:$0x18800] =	vst v63  }
0x22: {  	_ =	swait.ge [sflag:s17], $0x4000  }
0x23: {  	[sflag:s17] =	ssyncset.done $0x0  }
0x24: {  	[sflag:s17] =	ssyncadd.s32 $0xFFFFC000  }
0x25: {  	_ =	swait.ge [sflag:s17], $0x4000  }
0x26: {  	[sflag:s17] =	ssyncset.done $0x0  }
0x27: {  	[sflag:s17] =	ssyncadd.s32 $0xFFFFC000  }
0x28: {  	_ =	swait.ge [sflag:s17], $0x4000  }
0x29: {  	[sflag:s17] =	ssyncset.done $0x0  }
0x2a: {  	[sflag:s17] =	ssyncadd.s32 $0xFFFFC000  }
0x2b: {  	[tilespmem:s18], [sflag:$0x2] =	stream.indirect.gather [hbm4b:s1+s13], $0x80, s13, s13, $0xb8;
	[tilespmem:$0x18800] =	vst v63  }
0x2c: {  	s3 =	simm.s32 $0x280  }
0x2d: {  	[tilespmem:s20], [sflag:$0x2] =	stream.indirect.gather [hbm4b:s1+s13], $0x80, s3, s13, $0xb8;
	[tilespmem:$0x18800] =	vst v63  }
0x2e: {  	s21 =	simm.s32 $0x480;
	s3 =	simm.s32 $0x0  }
0x2f: {  	[tilespmem:s22], [sflag:$0x2] =	stream.indirect.gather [hbm4b:s2+s13], $0x80, s21, s13, $0xb8;
	[tilespmem:$0x18800] =	vst v63  }
.LBB2_2:
0x30: {  	s19 =	sshll.u32 s3, $0x4;
	v1 =	vlaneseq.u32  }
0x31: {  	v0 =	vmov s19;
	v2 =	vmul.u32 $0x80, v1  }
0x32: {  	v0 =	vshll.u32 v0, $0x7  }
0x33: {  	v0 =	vor.u32 v2, v0;
	v2 =	vand.u32 $0x7F, v1  }
0x34: {  	v2 =	vor.u32 v0, v2  }
0x35: {  	v3 =	vadd.s32 $0x1, v1  }
0x36: {  	v3 =	vand.u32 $0x7F, v3  }
0x37: {  	v3 =	vor.u32 v0, v3;
	_ =	sdelay $0x1  }
0x38: {  	v5 =	vld.idx.msk [tilespmem:v2+s16+$0x0], $0xffff  }
0x39: {  	v4 =	vadd.s32 $0x2, v1;
	v6 =	vld.idx.msk [tilespmem:v2+s14+$0x0], $0xffff  }
0x3a: {  	v4 =	vand.u32 $0x7F, v4;
	v2 =	vld.idx.msk [tilespmem:v2+s15+$0x0], $0xffff  }
0x3b: {  	v4 =	vor.u32 v0, v4;
	v9 =	vld.idx.msk [tilespmem:v3+s14+$0x0], $0xffff  }
0x3c: {  	v7 =	vadd.s32 $0x3, v1;
	v10 =	vld.idx.msk [tilespmem:v3+s15+$0x0], $0xffff  }
0x3d: {  	v8 =	vadd.s32 $0x4, v1;
	v7 =	vand.u32 $0x7F, v7;
	v3 =	vld.idx.msk [tilespmem:v3+s16+$0x0], $0xffff  }
0x3e: {  	v8 =	vand.u32 $0x7F, v8;
	v7 =	vor.u32 v0, v7  }
0x3f: {  	v11 =	vimm.f32 $0.0e+00;
	v12 =	vadd.s32 $0x5, v1;
	v8 =	vor.u32 v0, v8  }
0x40: {  	v16 =	vadd.s32 $0x7, v1;
	v13 =	vld.idx.msk [tilespmem:v4+s14+$0x0], $0xffff;
	v14 =	vmul.f32 v6, v6;
	v15 =	vmul.f32 v5, v6  }
0x41: {  	v19 =	vadd.s32 $0x6, v1;
	v18 =	vld.idx.msk [tilespmem:v4+s15+$0x0], $0xffff;
	v17 =	vmul.f32 v2, v2;
	v6 =	vmul.f32 v2, v6  }
0x42: {  	v16 =	vand.u32 $0x7F, v16;
	v20 =	vld.idx.msk [tilespmem:v4+s16+$0x0], $0xffff;
	v2 =	vmul.f32 v5, v2;
	v21 =	vmul.f32 v3, v9  }
0x43: {  	v1 =	vadd.s32 $0x8, v1;
	v24 =	vld.idx.msk [tilespmem:v7+s15+$0x0], $0xffff;
	v23 =	vmul.f32 v9, v9;
	v22 =	vmul.f32 v10, v10  }
0x44: {  	v27 =	vld.idx.msk [tilespmem:v8+s16+$0x0], $0xffff;
	v4 =	vadd.f32 v14, v11;
	v14 =	vor.u32 v0, v16;
	v16 =	vadd.f32 v17, v11  }
0x45: {  	v5 =	vld.idx.msk [tilespmem:v7+s16+$0x0], $0xffff;
	v17 =	vadd.f32 v6, v11;
	v6 =	vand.u32 $0x7F, v12;
	v2 =	vadd.f32 v2, v11  }
0x46: {  	v12 =	vmul.f32 v10, v9;
	v11 =	vadd.f32 v15, v11;
	v15 =	vmul.f32 v3, v10;
	v10 =	vld.idx.msk [tilespmem:v7+s14+$0x0], $0xffff  }
0x47: {  	v25 =	vmul.f32 v20, v18;
	v9 =	vand.u32 $0x7F, v19;
	v26 =	vor.u32 v0, v6;
	v6 =	vld.idx.msk [tilespmem:v8+s15+$0x0], $0xffff  }
0x48: {  	v8 =	vld.idx.msk [tilespmem:v8+s14+$0x0], $0xffff;
	v3 =	vadd.f32 v12, v17;
	v12 =	vmul.f32 v18, v13;
	v15 =	vadd.f32 v15, v2  }
0x49: {  	v20 =	vmul.f32 v20, v13;
	v9 =	vor.u32 v0, v9;
	v17 =	vmul.f32 v18, v18;
	v2 =	vld.idx.msk [tilespmem:v14+s16+$0x0], $0xffff  }
0x4a: {  	v7 =	vadd.f32 v12, v3;
	v12 =	vadd.f32 v25, v15;
	v15 =	vmul.f32 v5, v24;
	v3 =	vld.idx.msk [tilespmem:v14+s14+$0x0], $0xffff  }
0x4b: {  	v18 =	vmul.f32 v24, v24;
	v22 =	vadd.f32 v22, v16;
	v23 =	vadd.f32 v23, v4;
	v4 =	vld.idx.msk [tilespmem:v14+s15+$0x0], $0xffff  }
0x4c: {  	v25 =	vmul.f32 v13, v13;
	v28 =	vmul.f32 v27, v6;
	v14 =	vadd.f32 v15, v12;
	v12 =	vld.idx.msk [tilespmem:v26+s16+$0x0], $0xffff  }
0x4d: {  	v21 =	vadd.f32 v21, v11;
	v16 =	vmul.f32 v24, v10;
	v19 =	vmul.f32 v6, v6;
	v13 =	vld.idx.msk [tilespmem:v26+s15+$0x0], $0xffff  }
0x4e: {  	s21 =	simm.s32 $0xF;
	v15 =	vmul.f32 v27, v8;
	v24 =	vmul.f32 v8, v8;
	v11 =	vadd.f32 v28, v14;
	v14 =	vld.idx.msk [tilespmem:v26+s14+$0x0], $0xffff  }
.LBB2_3:
0x4f: {  	p0 =	sne.s32 s21, $0x1;
	s21 =	sadd.s32 $0xFFFFFFFF, s21;
	v20 =	vadd.f32 v20, v21;
	v5 =	vmul.f32 v5, v10;
	v6 =	vmul.f32 v6, v8;
	v8 =	vld.idx.msk [tilespmem:v9+s16+$0x0], $0xffff  }
0x50: {  	v17 =	vadd.f32 v17, v22;
	v22 =	vmul.f32 v3, v3;
	v21 =	vld.idx.msk [tilespmem:v9+s14+$0x0], $0xffff  }
0x51: {  	v23 =	vadd.f32 v25, v23;
	v10 =	vmul.f32 v10, v10;
	v5 =	vadd.f32 v5, v20;
	v9 =	vld.idx.msk [tilespmem:v9+s15+$0x0], $0xffff  }
0x52: {  	v17 =	vadd.f32 v18, v17;
	v18 =	vmul.f32 v4, v4;
	v20 =	vmul.f32 v2, v4  }
0x53: {  	v10 =	vadd.f32 v10, v23;
	v5 =	vadd.f32 v15, v5;
	v15 =	vmul.f32 v12, v13  }
0x54: {  	v7 =	vadd.f32 v16, v7;
	v16 =	vmul.f32 v13, v13;
	v13 =	vmul.f32 v13, v14  }
0x55: {  	v2 =	vmul.f32 v2, v3;
	v17 =	vadd.f32 v19, v17;
	v12 =	vmul.f32 v12, v14  }
0x56: {  	v19 =	vand.u32 $0x7F, v1;
	v10 =	vadd.f32 v24, v10;
	v14 =	vmul.f32 v14, v14  }
0x57: {  	v6 =	vadd.f32 v6, v7;
	v19 =	vor.u32 v0, v19;
	v5 =	vadd.f32 v12, v5  }
0x58: {  	v7 =	vadd.s32 $0x1, v1;
	v11 =	vadd.f32 v15, v11;
	v12 =	vmul.f32 v21, v21  }
0x59: {  	v7 =	vand.u32 $0x7F, v7;
	v15 =	vadd.f32 v16, v17;
	v16 =	vmul.f32 v9, v21  }
0x5a: {  	v7 =	vor.u32 v0, v7;
	v10 =	vadd.f32 v14, v10;
	v14 =	vmul.f32 v8, v9  }
0x5b: {  	v17 =	vadd.s32 $0x2, v1;
	v6 =	vadd.f32 v13, v6;
	v9 =	vmul.f32 v9, v9  }
0x5c: {  	v3 =	vmul.f32 v4, v3;
	v17 =	vand.u32 $0x7F, v17;
	v8 =	vmul.f32 v8, v21;
	v13 =	vld.idx.msk [tilespmem:v19+s16+$0x0], $0xffff  }
0x5d: {  	v17 =	vor.u32 v0, v17;
	v10 =	vadd.f32 v12, v10;
	v9 =	vadd.f32 v9, v15;
	v4 =	vld.idx.msk [tilespmem:v19+s14+$0x0], $0xffff  }
0x5e: {  	v15 =	vadd.s32 $0x3, v1;
	v6 =	vadd.f32 v16, v6;
	v11 =	vadd.f32 v14, v11;
	v12 =	vld.idx.msk [tilespmem:v19+s15+$0x0], $0xffff  }
0x5f: {  	v5 =	vadd.f32 v8, v5;
	v15 =	vand.u32 $0x7F, v15;
	v8 =	vadd.f32 v18, v9;
	v14 =	vld.idx.msk [tilespmem:v7+s14+$0x0], $0xffff  }
0x60: {  	v16 =	vadd.s32 $0x4, v1;
	v15 =	vor.u32 v0, v15;
	v11 =	vadd.f32 v20, v11;
	v9 =	vld.idx.msk [tilespmem:v7+s15+$0x0], $0xffff  }
0x61: {  	v16 =	vand.u32 $0x7F, v16;
	v10 =	vadd.f32 v22, v10;
	v3 =	vadd.f32 v3, v6;
	v7 =	vld.idx.msk [tilespmem:v7+s16+$0x0], $0xffff  }
0x62: {  	v16 =	vor.u32 v0, v16;
	v6 =	vadd.s32 $0x5, v1;
	v2 =	vadd.f32 v2, v5;
	v20 =	vld.idx.msk [tilespmem:v17+s14+$0x0], $0xffff  }
0x63: {  	v21 =	vadd.s32 $0x7, v1;
	v5 =	vmul.f32 v4, v4;
	v18 =	vmul.f32 v13, v4;
	v19 =	vld.idx.msk [tilespmem:v17+s15+$0x0], $0xffff  }
0x64: {  	v22 =	vmul.f32 v12, v12;
	v4 =	vmul.f32 v12, v4;
	v24 =	vld.idx.msk [tilespmem:v17+s16+$0x0], $0xffff;
	v17 =	vand.u32 $0x7F, v21  }
0x65: {  	v21 =	vadd.f32 v5, v10;
	v10 =	vmul.f32 v13, v12;
	v5 =	vld.idx.msk [tilespmem:v15+s16+$0x0], $0xffff;
	v12 =	vor.u32 v0, v17  }
0x66: {  	v13 =	vadd.f32 v22, v8;
	v3 =	vadd.f32 v4, v3;
	v4 =	vand.u32 $0x7F, v6;
	v26 =	vld.idx.msk [tilespmem:v15+s15+$0x0], $0xffff  }
0x67: {  	v8 =	vmul.f32 v9, v14;
	v10 =	vadd.f32 v10, v11;
	v27 =	vor.u32 v0, v4;
	v11 =	vld.idx.msk [tilespmem:v16+s16+$0x0], $0xffff  }
0x68: {  	v28 =	vadd.f32 v18, v2;
	v2 =	vmul.f32 v7, v9;
	v4 =	vadd.s32 $0x6, v1;
	v6 =	vld.idx.msk [tilespmem:v16+s15+$0x0], $0xffff  }
0x69: {  	v29 =	vmul.f32 v7, v14;
	v3 =	vadd.f32 v8, v3;
	v7 =	vmul.f32 v19, v20;
	v8 =	vld.idx.msk [tilespmem:v16+s14+$0x0], $0xffff  }
0x6a: {  	v14 =	vmul.f32 v14, v14;
	v17 =	vmul.f32 v19, v19;
	v16 =	vadd.f32 v2, v10;
	v2 =	vld.idx.msk [tilespmem:v12+s16+$0x0], $0xffff  }
0x6b: {  	v22 =	vmul.f32 v9, v9;
	v4 =	vand.u32 $0x7F, v4;
	v19 =	vmul.f32 v24, v19;
	v10 =	vld.idx.msk [tilespmem:v15+s14+$0x0], $0xffff  }
0x6c: {  	v9 =	vor.u32 v0, v4;
	v7 =	vadd.f32 v7, v3;
	v18 =	vmul.f32 v26, v26  }
.Ltmp0:
0x6d: {  	v22 =	vadd.f32 v22, v13;
	v13 =	vadd.f32 v19, v16;
	v15 =	vmul.f32 v5, v26;
	v3 =	vld.idx.msk [tilespmem:v12+s14+$0x0], $0xffff;
	(pc) =	sbr.rel @p0 .LBB2_3-.Ltmp0, $4  }
0x6e: {  	v23 =	vadd.f32 v14, v21;
	v19 =	vmul.f32 v6, v6;
	v14 =	vmul.f32 v11, v6;
	v4 =	vld.idx.msk [tilespmem:v12+s15+$0x0], $0xffff  }
0x6f: {  	v25 =	vmul.f32 v20, v20;
	v20 =	vmul.f32 v24, v20;
	v30 =	vadd.f32 v15, v13;
	v12 =	vld.idx.msk [tilespmem:v27+s16+$0x0], $0xffff  }
0x70: {  	v1 =	vadd.s32 $0x8, v1;
	v21 =	vadd.f32 v29, v28;
	v15 =	vmul.f32 v11, v8;
	v13 =	vld.idx.msk [tilespmem:v27+s15+$0x0], $0xffff  }
0x71: {  	v24 =	vmul.f32 v8, v8;
	v11 =	vadd.f32 v14, v30;
	v16 =	vmul.f32 v26, v10;
	v14 =	vld.idx.msk [tilespmem:v27+s14+$0x0], $0xffff  }
0x72: {  	_ =	sdelay $0x2  }
0x73: {  	v0 =	vadd.f32 v25, v23;
	v1 =	vmul.f32 v10, v10  }
0x74: {  	v17 =	vadd.f32 v17, v22;
	v63 =	vld.idx.msk [tilespmem:v9+s14+$0x0], $0xffff  }
0x75: {  	v28 =	vld.idx.msk [tilespmem:v9+s15+$0x0], $0xffff;
	v0 =	vadd.f32 v1, v0  }
0x76: {  	v29 =	vadd.f32 v18, v17  }
0x77: {  	v0 =	vadd.f32 v24, v0;
	v30 =	vmul.f32 v14, v14  }
0x78: {  	v31 =	vmul.f32 v13, v13;
	v1 =	vadd.f32 v19, v29  }
0x79: {  	v32 =	vmul.f32 v63, v63;
	v0 =	vadd.f32 v30, v0  }
0x7a: {  	v33 =	vmul.f32 v28, v28;
	v1 =	vadd.f32 v31, v1  }
0x7b: {  	v34 =	vmul.f32 v3, v3;
	v0 =	vadd.f32 v32, v0  }
0x7c: {  	v35 =	vmul.f32 v4, v4;
	v1 =	vadd.f32 v33, v1  }
0x7d: {  	v0 =	vadd.f32 v34, v0  }
0x7e: {  	v1 =	vadd.f32 v35, v1  }
0x7f: {  	v36 =	vmax.f32 v0, $1.000000020e-24  }
0x80: {  	v19 =	vmax.f32 v1, $1.000000020e-24;
	v37 =	vshra.s32 v36, $0x1  }
0x81: {  	v17 =	vmul.f32 $5.000000000e-01, v36;
	v38 =	vshra.s32 v19, $0x1;
	v19 =	vmul.f32 $5.000000000e-01, v19  }
0x82: {  	v18 =	vsub.s32 $0x5F3759DF, v37;
	v24 =	vsub.s32 $0x5F3759DF, v38  }
0x83: {  	v39 =	vmul.f32 v18, v17;
	v26 =	vmul.f32 v24, v19;
	_ =	sdelay $0x1  }
0x84: {  	v25 =	vmul.f32 v18, v39;
	v26 =	vmul.f32 v24, v26;
	_ =	sdelay $0x1  }
0x85: {  	v25 =	vsub.f32 $1.500000000e+00, v25;
	v26 =	vsub.f32 $1.500000000e+00, v26;
	_ =	sdelay $0x1  }
0x86: {  	v18 =	vmul.f32 v18, v25;
	v24 =	vmul.f32 v24, v26;
	_ =	sdelay $0x1  }
0x87: {  	v25 =	vmul.f32 v18, v17;
	v26 =	vmul.f32 v24, v19;
	_ =	sdelay $0x1  }
0x88: {  	v25 =	vmul.f32 v25, v18;
	v26 =	vmul.f32 v26, v24;
	_ =	sdelay $0x1  }
0x89: {  	v5 =	vmul.f32 v5, v10;
	v40 =	vsub.f32 $1.500000000e+00, v25;
	v41 =	vsub.f32 $1.500000000e+00, v26  }
0x8a: {  	v20 =	vadd.f32 v20, v21;
	v6 =	vmul.f32 v6, v8;
	v50 =	vmul.f32 v2, v3  }
0x8b: {  	v7 =	vadd.f32 v16, v7;
	v42 =	vmul.f32 v40, v18;
	v43 =	vmul.f32 v41, v24  }
0x8c: {  	v44 =	vld.idx.msk [tilespmem:v9+s16+$0x0], $0xffff;
	v55 =	vmul.f32 v4, v3;
	v5 =	vadd.f32 v5, v20;
	v45 =	vmul.f32 v12, v13  }
0x8d: {  	v6 =	vadd.f32 v6, v7;
	v47 =	vmul.f32 v42, v17;
	v48 =	vmul.f32 v43, v19  }
0x8e: {  	v46 =	vmul.f32 v12, v14;
	v5 =	vadd.f32 v15, v5;
	v49 =	vmul.f32 v13, v14  }
0x8f: {  	v51 =	vmul.f32 v47, v42;
	v52 =	vmul.f32 v48, v43  }
0x90: {  	v53 =	vmul.f32 v28, v63;
	v5 =	vadd.f32 v46, v5;
	v6 =	vadd.f32 v49, v6  }
0x91: {  	v54 =	vmul.f32 v44, v63;
	v7 =	vsub.f32 $1.500000000e+00, v51;
	v12 =	vsub.f32 $1.500000000e+00, v52  }
0x92: {  	v11 =	vadd.f32 v45, v11;
	v9 =	vmul.f32 v44, v28;
	v6 =	vadd.f32 v53, v6  }
0x93: {  	v5 =	vadd.f32 v54, v5;
	v7 =	vmul.f32 v7, v42;
	v56 =	vmul.f32 v12, v43  }
0x94: {  	v57 =	vmul.f32 v2, v4;
	v58 =	vadd.f32 v9, v11  }
0x95: {  	v3 =	vadd.f32 v55, v6;
	v5 =	vadd.f32 v50, v5;
	v59 =	vmul.f32 v56, v7  }
0x96: {  	v2 =	vadd.f32 v57, v58;
	v0 =	vmul.f32 v7, v0;
	v1 =	vmul.f32 v56, v1  }
0x97: {  	v60 =	vmul.f32 v7, v5;
	v3 =	vmul.f32 v59, v3  }
0x98: {  	v2 =	vmul.f32 v56, v2  }
0x99: {  	v0 =	vmul.f32 v0, v7;
	v1 =	vmul.f32 v1, v56;
	v3 =	vsub.f32 v60, v3;
	_ =	sdelay $0x1  }
0x9a: {  	v0 =	vadd.f32 v1, v0;
	v61 =	vsub.f32 v3, v2;
	_ =	sdelay $0x1  }
0x9b: {  	v0 =	vadd.f32 $1.000000000e+00, v0;
	v1 =	vadd.f32 v61, v61;
	_ =	sdelay $0x1  }
0x9c: {  	v0 =	vadd.f32 v1, v0;
	_ =	sdelay $0x1  }
0x9d: {  	v1 =	vmax.f32 v0, $1.000000000e-30  }
0x9e: {  	v62 =	vshra.s32 v1, $0x1;
	v1 =	vmul.f32 $5.000000000e-01, v1  }
0x9f: {  	v2 =	vsub.s32 $0x5F3759DF, v62  }
0xa0: {  	v63 =	vmul.f32 v2, v1;
	_ =	sdelay $0x1  }
0xa1: {  	v3 =	vmul.f32 v2, v63;
	_ =	sdelay $0x1  }
0xa2: {  	v3 =	vsub.f32 $1.500000000e+00, v3;
	_ =	sdelay $0x1  }
0xa3: {  	v2 =	vmul.f32 v2, v3;
	_ =	sdelay $0x1  }
0xa4: {  	v3 =	vmul.f32 v2, v1;
	_ =	sdelay $0x1  }
0xa5: {  	v3 =	vmul.f32 v3, v2;
	_ =	sdelay $0x1  }
0xa6: {  	v3 =	vsub.f32 $1.500000000e+00, v3;
	_ =	sdelay $0x1  }
0xa7: {  	v2 =	vmul.f32 v3, v2;
	_ =	sdelay $0x1  }
0xa8: {  	v1 =	vmul.f32 v2, v1;
	_ =	sdelay $0x1  }
0xa9: {  	v1 =	vmul.f32 v1, v2;
	_ =	sdelay $0x1  }
0xaa: {  	s3 =	sadd.s32 $0x1, s3;
	v1 =	vsub.f32 $1.500000000e+00, v1  }
0xab: {  	p0 =	sne.s32 s3, $0x8  }
.Ltmp1:
0xac: {  	v1 =	vmul.f32 v1, v2;
	(pc) =	sbr.rel @p0 .LBB2_2-.Ltmp1, $3  }
0xad: {  	v0 =	vmax.f32 v0, $0.0e+00  }
0xae: {  	v0 =	vmul.f32 v1, v0;
	_ =	sdelay $0x1  }
0xaf: {  	[tilespmem:s19+$0x18600] =	vst v0  }
0xb0: {  	_ =	swait.ge [sflag:s23], $0x4000  }
0xb1: {  	[sflag:s23] =	ssyncset.done $0x0  }
0xb2: {  	[sflag:s23] =	ssyncadd.s32 $0xFFFFC000  }
0xb3: {  	_ =	swait.ge [sflag:s23], $0x4000  }
0xb4: {  	[sflag:s23] =	ssyncset.done $0x0  }
0xb5: {  	[sflag:s23] =	ssyncadd.s32 $0xFFFFC000  }
0xb6: {  	_ =	swait.ge [sflag:s23], $0x4000  }
0xb7: {  	[sflag:s23] =	ssyncset.done $0x0  }
0xb8: {  	[sflag:s23] =	ssyncadd.s32 $0xFFFFC000  }
0xb9: {  	[tilespmem:s14], [sflag:$0x1] =	stream.indirect.gather [hbm4b:s1+s13], $0x80, s24, s13, $0xb8;
	[tilespmem:$0x18800] =	vst v63  }
0xba: {  	_ = 	snop  }
0xbb: {  	[tilespmem:s15], [sflag:$0x1] =	stream.indirect.gather [hbm4b:s1+s13], $0x80, s25, s13, $0xb8;
	[tilespmem:$0x18800] =	vst v63  }
0xbc: {  	s3 =	simm.s32 $0x0  }
0xbd: {  	[tilespmem:s16], [sflag:$0x1] =	stream.indirect.gather [hbm4b:s2+s13], $0x80, s26, s13, $0xb8;
	[tilespmem:$0x18800] =	vst v63  }
.LBB2_6:
0xbe: {  	s19 =	sshll.u32 s3, $0x4;
	v1 =	vlaneseq.u32  }
0xbf: {  	v0 =	vmov s19;
	v2 =	vmul.u32 $0x80, v1  }
0xc0: {  	v0 =	vshll.u32 v0, $0x7  }
0xc1: {  	v0 =	vor.u32 v2, v0;
	v2 =	vand.u32 $0x7F, v1  }
0xc2: {  	v2 =	vor.u32 v0, v2  }
0xc3: {  	v3 =	vadd.s32 $0x1, v1  }
0xc4: {  	v3 =	vand.u32 $0x7F, v3  }
0xc5: {  	v3 =	vor.u32 v0, v3;
	_ =	sdelay $0x1  }
0xc6: {  	v5 =	vld.idx.msk [tilespmem:v2+s22+$0x0], $0xffff  }
0xc7: {  	v4 =	vadd.s32 $0x2, v1;
	v6 =	vld.idx.msk [tilespmem:v2+s18+$0x0], $0xffff  }
0xc8: {  	v4 =	vand.u32 $0x7F, v4;
	v2 =	vld.idx.msk [tilespmem:v2+s20+$0x0], $0xffff  }
0xc9: {  	v4 =	vor.u32 v0, v4;
	v9 =	vld.idx.msk [tilespmem:v3+s18+$0x0], $0xffff  }
0xca: {  	v7 =	vadd.s32 $0x3, v1;
	v10 =	vld.idx.msk [tilespmem:v3+s20+$0x0], $0xffff  }
0xcb: {  	v8 =	vadd.s32 $0x4, v1;
	v7 =	vand.u32 $0x7F, v7;
	v3 =	vld.idx.msk [tilespmem:v3+s22+$0x0], $0xffff  }
0xcc: {  	v8 =	vand.u32 $0x7F, v8;
	v7 =	vor.u32 v0, v7  }
0xcd: {  	v11 =	vimm.f32 $0.0e+00;
	v12 =	vadd.s32 $0x5, v1;
	v8 =	vor.u32 v0, v8  }
0xce: {  	v16 =	vadd.s32 $0x7, v1;
	v13 =	vld.idx.msk [tilespmem:v4+s18+$0x0], $0xffff;
	v14 =	vmul.f32 v6, v6;
	v15 =	vmul.f32 v5, v6  }
0xcf: {  	v19 =	vadd.s32 $0x6, v1;
	v18 =	vld.idx.msk [tilespmem:v4+s20+$0x0], $0xffff;
	v17 =	vmul.f32 v2, v2;
	v6 =	vmul.f32 v2, v6  }
0xd0: {  	v16 =	vand.u32 $0x7F, v16;
	v20 =	vld.idx.msk [tilespmem:v4+s22+$0x0], $0xffff;
	v2 =	vmul.f32 v5, v2;
	v21 =	vmul.f32 v3, v9  }
0xd1: {  	v1 =	vadd.s32 $0x8, v1;
	v24 =	vld.idx.msk [tilespmem:v7+s20+$0x0], $0xffff;
	v23 =	vmul.f32 v9, v9;
	v22 =	vmul.f32 v10, v10  }
0xd2: {  	v27 =	vld.idx.msk [tilespmem:v8+s22+$0x0], $0xffff;
	v4 =	vadd.f32 v14, v11;
	v14 =	vor.u32 v0, v16;
	v16 =	vadd.f32 v17, v11  }
0xd3: {  	v5 =	vld.idx.msk [tilespmem:v7+s22+$0x0], $0xffff;
	v17 =	vadd.f32 v6, v11;
	v6 =	vand.u32 $0x7F, v12;
	v2 =	vadd.f32 v2, v11  }
0xd4: {  	v12 =	vmul.f32 v10, v9;
	v11 =	vadd.f32 v15, v11;
	v15 =	vmul.f32 v3, v10;
	v10 =	vld.idx.msk [tilespmem:v7+s18+$0x0], $0xffff  }
0xd5: {  	v25 =	vmul.f32 v20, v18;
	v9 =	vand.u32 $0x7F, v19;
	v26 =	vor.u32 v0, v6;
	v6 =	vld.idx.msk [tilespmem:v8+s20+$0x0], $0xffff  }
0xd6: {  	v8 =	vld.idx.msk [tilespmem:v8+s18+$0x0], $0xffff;
	v3 =	vadd.f32 v12, v17;
	v12 =	vmul.f32 v18, v13;
	v15 =	vadd.f32 v15, v2  }
0xd7: {  	v20 =	vmul.f32 v20, v13;
	v9 =	vor.u32 v0, v9;
	v17 =	vmul.f32 v18, v18;
	v2 =	vld.idx.msk [tilespmem:v14+s22+$0x0], $0xffff  }
0xd8: {  	v7 =	vadd.f32 v12, v3;
	v12 =	vadd.f32 v25, v15;
	v15 =	vmul.f32 v5, v24;
	v3 =	vld.idx.msk [tilespmem:v14+s18+$0x0], $0xffff  }
0xd9: {  	v18 =	vmul.f32 v24, v24;
	v22 =	vadd.f32 v22, v16;
	v23 =	vadd.f32 v23, v4;
	v4 =	vld.idx.msk [tilespmem:v14+s20+$0x0], $0xffff  }
0xda: {  	v25 =	vmul.f32 v13, v13;
	v28 =	vmul.f32 v27, v6;
	v14 =	vadd.f32 v15, v12;
	v12 =	vld.idx.msk [tilespmem:v26+s22+$0x0], $0xffff  }
0xdb: {  	v21 =	vadd.f32 v21, v11;
	v16 =	vmul.f32 v24, v10;
	v19 =	vmul.f32 v6, v6;
	v13 =	vld.idx.msk [tilespmem:v26+s20+$0x0], $0xffff  }
0xdc: {  	s21 =	simm.s32 $0xF;
	v15 =	vmul.f32 v27, v8;
	v24 =	vmul.f32 v8, v8;
	v11 =	vadd.f32 v28, v14;
	v14 =	vld.idx.msk [tilespmem:v26+s18+$0x0], $0xffff  }
.LBB2_7:
0xdd: {  	p0 =	sne.s32 s21, $0x1;
	s21 =	sadd.s32 $0xFFFFFFFF, s21;
	v20 =	vadd.f32 v20, v21;
	v5 =	vmul.f32 v5, v10;
	v6 =	vmul.f32 v6, v8;
	v8 =	vld.idx.msk [tilespmem:v9+s22+$0x0], $0xffff  }
0xde: {  	v17 =	vadd.f32 v17, v22;
	v22 =	vmul.f32 v3, v3;
	v21 =	vld.idx.msk [tilespmem:v9+s18+$0x0], $0xffff  }
0xdf: {  	v23 =	vadd.f32 v25, v23;
	v10 =	vmul.f32 v10, v10;
	v5 =	vadd.f32 v5, v20;
	v9 =	vld.idx.msk [tilespmem:v9+s20+$0x0], $0xffff  }
0xe0: {  	v17 =	vadd.f32 v18, v17;
	v18 =	vmul.f32 v4, v4;
	v20 =	vmul.f32 v2, v4  }
0xe1: {  	v10 =	vadd.f32 v10, v23;
	v5 =	vadd.f32 v15, v5;
	v15 =	vmul.f32 v12, v13  }
0xe2: {  	v7 =	vadd.f32 v16, v7;
	v16 =	vmul.f32 v13, v13;
	v13 =	vmul.f32 v13, v14  }
0xe3: {  	v2 =	vmul.f32 v2, v3;
	v17 =	vadd.f32 v19, v17;
	v12 =	vmul.f32 v12, v14  }
0xe4: {  	v19 =	vand.u32 $0x7F, v1;
	v10 =	vadd.f32 v24, v10;
	v14 =	vmul.f32 v14, v14  }
0xe5: {  	v6 =	vadd.f32 v6, v7;
	v19 =	vor.u32 v0, v19;
	v5 =	vadd.f32 v12, v5  }
0xe6: {  	v7 =	vadd.s32 $0x1, v1;
	v11 =	vadd.f32 v15, v11;
	v12 =	vmul.f32 v21, v21  }
0xe7: {  	v7 =	vand.u32 $0x7F, v7;
	v15 =	vadd.f32 v16, v17;
	v16 =	vmul.f32 v9, v21  }
0xe8: {  	v7 =	vor.u32 v0, v7;
	v10 =	vadd.f32 v14, v10;
	v14 =	vmul.f32 v8, v9  }
0xe9: {  	v17 =	vadd.s32 $0x2, v1;
	v6 =	vadd.f32 v13, v6;
	v9 =	vmul.f32 v9, v9  }
0xea: {  	v3 =	vmul.f32 v4, v3;
	v17 =	vand.u32 $0x7F, v17;
	v8 =	vmul.f32 v8, v21;
	v13 =	vld.idx.msk [tilespmem:v19+s22+$0x0], $0xffff  }
0xeb: {  	v17 =	vor.u32 v0, v17;
	v10 =	vadd.f32 v12, v10;
	v9 =	vadd.f32 v9, v15;
	v4 =	vld.idx.msk [tilespmem:v19+s18+$0x0], $0xffff  }
0xec: {  	v15 =	vadd.s32 $0x3, v1;
	v6 =	vadd.f32 v16, v6;
	v11 =	vadd.f32 v14, v11;
	v12 =	vld.idx.msk [tilespmem:v19+s20+$0x0], $0xffff  }
0xed: {  	v5 =	vadd.f32 v8, v5;
	v15 =	vand.u32 $0x7F, v15;
	v8 =	vadd.f32 v18, v9;
	v14 =	vld.idx.msk [tilespmem:v7+s18+$0x0], $0xffff  }
0xee: {  	v16 =	vadd.s32 $0x4, v1;
	v15 =	vor.u32 v0, v15;
	v11 =	vadd.f32 v20, v11;
	v9 =	vld.idx.msk [tilespmem:v7+s20+$0x0], $0xffff  }
0xef: {  	v16 =	vand.u32 $0x7F, v16;
	v10 =	vadd.f32 v22, v10;
	v3 =	vadd.f32 v3, v6;
	v7 =	vld.idx.msk [tilespmem:v7+s22+$0x0], $0xffff  }
0xf0: {  	v16 =	vor.u32 v0, v16;
	v6 =	vadd.s32 $0x5, v1;
	v2 =	vadd.f32 v2, v5;
	v20 =	vld.idx.msk [tilespmem:v17+s18+$0x0], $0xffff  }
0xf1: {  	v21 =	vadd.s32 $0x7, v1;
	v5 =	vmul.f32 v4, v4;
	v18 =	vmul.f32 v13, v4;
	v19 =	vld.idx.msk [tilespmem:v17+s20+$0x0], $0xffff  }
0xf2: {  	v22 =	vmul.f32 v12, v12;
	v4 =	vmul.f32 v12, v4;
	v24 =	vld.idx.msk [tilespmem:v17+s22+$0x0], $0xffff;
	v17 =	vand.u32 $0x7F, v21  }
0xf3: {  	v21 =	vadd.f32 v5, v10;
	v10 =	vmul.f32 v13, v12;
	v5 =	vld.idx.msk [tilespmem:v15+s22+$0x0], $0xffff;
	v12 =	vor.u32 v0, v17  }
0xf4: {  	v13 =	vadd.f32 v22, v8;
	v3 =	vadd.f32 v4, v3;
	v4 =	vand.u32 $0x7F, v6;
	v26 =	vld.idx.msk [tilespmem:v15+s20+$0x0], $0xffff  }
0xf5: {  	v8 =	vmul.f32 v9, v14;
	v10 =	vadd.f32 v10, v11;
	v27 =	vor.u32 v0, v4;
	v11 =	vld.idx.msk [tilespmem:v16+s22+$0x0], $0xffff  }
0xf6: {  	v28 =	vadd.f32 v18, v2;
	v2 =	vmul.f32 v7, v9;
	v4 =	vadd.s32 $0x6, v1;
	v6 =	vld.idx.msk [tilespmem:v16+s20+$0x0], $0xffff  }
0xf7: {  	v29 =	vmul.f32 v7, v14;
	v3 =	vadd.f32 v8, v3;
	v7 =	vmul.f32 v19, v20;
	v8 =	vld.idx.msk [tilespmem:v16+s18+$0x0], $0xffff  }
0xf8: {  	v14 =	vmul.f32 v14, v14;
	v17 =	vmul.f32 v19, v19;
	v16 =	vadd.f32 v2, v10;
	v2 =	vld.idx.msk [tilespmem:v12+s22+$0x0], $0xffff  }
0xf9: {  	v22 =	vmul.f32 v9, v9;
	v4 =	vand.u32 $0x7F, v4;
	v19 =	vmul.f32 v24, v19;
	v10 =	vld.idx.msk [tilespmem:v15+s18+$0x0], $0xffff  }
0xfa: {  	v9 =	vor.u32 v0, v4;
	v7 =	vadd.f32 v7, v3;
	v18 =	vmul.f32 v26, v26  }
.Ltmp2:
0xfb: {  	v22 =	vadd.f32 v22, v13;
	v13 =	vadd.f32 v19, v16;
	v15 =	vmul.f32 v5, v26;
	v3 =	vld.idx.msk [tilespmem:v12+s18+$0x0], $0xffff;
	(pc) =	sbr.rel @p0 .LBB2_7-.Ltmp2, $4  }
0xfc: {  	v23 =	vadd.f32 v14, v21;
	v19 =	vmul.f32 v6, v6;
	v14 =	vmul.f32 v11, v6;
	v4 =	vld.idx.msk [tilespmem:v12+s20+$0x0], $0xffff  }
0xfd: {  	v25 =	vmul.f32 v20, v20;
	v20 =	vmul.f32 v24, v20;
	v30 =	vadd.f32 v15, v13;
	v12 =	vld.idx.msk [tilespmem:v27+s22+$0x0], $0xffff  }
0xfe: {  	v1 =	vadd.s32 $0x8, v1;
	v21 =	vadd.f32 v29, v28;
	v15 =	vmul.f32 v11, v8;
	v13 =	vld.idx.msk [tilespmem:v27+s20+$0x0], $0xffff  }
0xff: {  	v24 =	vmul.f32 v8, v8;
	v11 =	vadd.f32 v14, v30;
	v16 =	vmul.f32 v26, v10;
	v14 =	vld.idx.msk [tilespmem:v27+s18+$0x0], $0xffff  }
0x100: {  	_ =	sdelay $0x2  }
0x101: {  	v0 =	vadd.f32 v25, v23;
	v1 =	vmul.f32 v10, v10  }
0x102: {  	v17 =	vadd.f32 v17, v22;
	v63 =	vld.idx.msk [tilespmem:v9+s18+$0x0], $0xffff  }
0x103: {  	v28 =	vld.idx.msk [tilespmem:v9+s20+$0x0], $0xffff;
	v0 =	vadd.f32 v1, v0  }
0x104: {  	v29 =	vadd.f32 v18, v17  }
0x105: {  	v0 =	vadd.f32 v24, v0;
	v30 =	vmul.f32 v14, v14  }
0x106: {  	v31 =	vmul.f32 v13, v13;
	v1 =	vadd.f32 v19, v29  }
0x107: {  	v32 =	vmul.f32 v63, v63;
	v0 =	vadd.f32 v30, v0  }
0x108: {  	v33 =	vmul.f32 v28, v28;
	v1 =	vadd.f32 v31, v1  }
0x109: {  	v34 =	vmul.f32 v3, v3;
	v0 =	vadd.f32 v32, v0  }
0x10a: {  	v35 =	vmul.f32 v4, v4;
	v1 =	vadd.f32 v33, v1  }
0x10b: {  	v0 =	vadd.f32 v34, v0  }
0x10c: {  	v1 =	vadd.f32 v35, v1  }
0x10d: {  	v36 =	vmax.f32 v0, $1.000000020e-24  }
0x10e: {  	v19 =	vmax.f32 v1, $1.000000020e-24;
	v37 =	vshra.s32 v36, $0x1  }
0x10f: {  	v17 =	vmul.f32 $5.000000000e-01, v36;
	v38 =	vshra.s32 v19, $0x1;
	v19 =	vmul.f32 $5.000000000e-01, v19  }
0x110: {  	v18 =	vsub.s32 $0x5F3759DF, v37;
	v24 =	vsub.s32 $0x5F3759DF, v38  }
0x111: {  	v39 =	vmul.f32 v18, v17;
	v26 =	vmul.f32 v24, v19;
	_ =	sdelay $0x1  }
0x112: {  	v25 =	vmul.f32 v18, v39;
	v26 =	vmul.f32 v24, v26;
	_ =	sdelay $0x1  }
0x113: {  	v25 =	vsub.f32 $1.500000000e+00, v25;
	v26 =	vsub.f32 $1.500000000e+00, v26;
	_ =	sdelay $0x1  }
0x114: {  	v18 =	vmul.f32 v18, v25;
	v24 =	vmul.f32 v24, v26;
	_ =	sdelay $0x1  }
0x115: {  	v25 =	vmul.f32 v18, v17;
	v26 =	vmul.f32 v24, v19;
	_ =	sdelay $0x1  }
0x116: {  	v25 =	vmul.f32 v25, v18;
	v26 =	vmul.f32 v26, v24;
	_ =	sdelay $0x1  }
0x117: {  	v5 =	vmul.f32 v5, v10;
	v40 =	vsub.f32 $1.500000000e+00, v25;
	v41 =	vsub.f32 $1.500000000e+00, v26  }
0x118: {  	v20 =	vadd.f32 v20, v21;
	v6 =	vmul.f32 v6, v8;
	v50 =	vmul.f32 v2, v3  }
0x119: {  	v7 =	vadd.f32 v16, v7;
	v42 =	vmul.f32 v40, v18;
	v43 =	vmul.f32 v41, v24  }
0x11a: {  	v44 =	vld.idx.msk [tilespmem:v9+s22+$0x0], $0xffff;
	v55 =	vmul.f32 v4, v3;
	v5 =	vadd.f32 v5, v20;
	v45 =	vmul.f32 v12, v13  }
0x11b: {  	v6 =	vadd.f32 v6, v7;
	v47 =	vmul.f32 v42, v17;
	v48 =	vmul.f32 v43, v19  }
0x11c: {  	v46 =	vmul.f32 v12, v14;
	v5 =	vadd.f32 v15, v5;
	v49 =	vmul.f32 v13, v14  }
0x11d: {  	v51 =	vmul.f32 v47, v42;
	v52 =	vmul.f32 v48, v43  }
0x11e: {  	v53 =	vmul.f32 v28, v63;
	v5 =	vadd.f32 v46, v5;
	v6 =	vadd.f32 v49, v6  }
0x11f: {  	v54 =	vmul.f32 v44, v63;
	v7 =	vsub.f32 $1.500000000e+00, v51;
	v12 =	vsub.f32 $1.500000000e+00, v52  }
0x120: {  	v11 =	vadd.f32 v45, v11;
	v9 =	vmul.f32 v44, v28;
	v6 =	vadd.f32 v53, v6  }
0x121: {  	v5 =	vadd.f32 v54, v5;
	v7 =	vmul.f32 v7, v42;
	v56 =	vmul.f32 v12, v43  }
0x122: {  	v57 =	vmul.f32 v2, v4;
	v58 =	vadd.f32 v9, v11  }
0x123: {  	v3 =	vadd.f32 v55, v6;
	v5 =	vadd.f32 v50, v5;
	v59 =	vmul.f32 v56, v7  }
0x124: {  	v2 =	vadd.f32 v57, v58;
	v0 =	vmul.f32 v7, v0;
	v1 =	vmul.f32 v56, v1  }
0x125: {  	v60 =	vmul.f32 v7, v5;
	v3 =	vmul.f32 v59, v3  }
0x126: {  	v2 =	vmul.f32 v56, v2  }
0x127: {  	v0 =	vmul.f32 v0, v7;
	v1 =	vmul.f32 v1, v56;
	v3 =	vsub.f32 v60, v3;
	_ =	sdelay $0x1  }
0x128: {  	v0 =	vadd.f32 v1, v0;
	v61 =	vsub.f32 v3, v2;
	_ =	sdelay $0x1  }
0x129: {  	v0 =	vadd.f32 $1.000000000e+00, v0;
	v1 =	vadd.f32 v61, v61;
	_ =	sdelay $0x1  }
0x12a: {  	v0 =	vadd.f32 v1, v0;
	_ =	sdelay $0x1  }
0x12b: {  	v1 =	vmax.f32 v0, $1.000000000e-30  }
0x12c: {  	v62 =	vshra.s32 v1, $0x1;
	v1 =	vmul.f32 $5.000000000e-01, v1  }
0x12d: {  	v2 =	vsub.s32 $0x5F3759DF, v62  }
0x12e: {  	v63 =	vmul.f32 v2, v1;
	_ =	sdelay $0x1  }
0x12f: {  	v3 =	vmul.f32 v2, v63;
	_ =	sdelay $0x1  }
0x130: {  	v3 =	vsub.f32 $1.500000000e+00, v3;
	_ =	sdelay $0x1  }
0x131: {  	v2 =	vmul.f32 v2, v3;
	_ =	sdelay $0x1  }
0x132: {  	v3 =	vmul.f32 v2, v1;
	_ =	sdelay $0x1  }
0x133: {  	v3 =	vmul.f32 v3, v2;
	_ =	sdelay $0x1  }
0x134: {  	v3 =	vsub.f32 $1.500000000e+00, v3;
	_ =	sdelay $0x1  }
0x135: {  	v2 =	vmul.f32 v3, v2;
	_ =	sdelay $0x1  }
0x136: {  	v1 =	vmul.f32 v2, v1;
	_ =	sdelay $0x1  }
0x137: {  	v1 =	vmul.f32 v1, v2;
	_ =	sdelay $0x1  }
0x138: {  	s3 =	sadd.s32 $0x1, s3;
	v1 =	vsub.f32 $1.500000000e+00, v1  }
0x139: {  	p0 =	sne.s32 s3, $0x8  }
.Ltmp3:
0x13a: {  	v1 =	vmul.f32 v1, v2;
	(pc) =	sbr.rel @p0 .LBB2_6-.Ltmp3, $3  }
0x13b: {  	v0 =	vmax.f32 v0, $0.0e+00  }
0x13c: {  	v0 =	vmul.f32 v1, v0;
	_ =	sdelay $0x1  }
0x13d: {  	[tilespmem:s19+$0x18680] =	vst v0  }
0x13e: {  	_ =	swait.ge [sflag:s17], $0x4000  }
0x13f: {  	[sflag:s17] =	ssyncset.done $0x0  }
0x140: {  	[sflag:s17] =	ssyncadd.s32 $0xFFFFC000  }
0x141: {  	_ =	swait.ge [sflag:s17], $0x4000  }
0x142: {  	[sflag:s17] =	ssyncset.done $0x0  }
0x143: {  	[sflag:s17] =	ssyncadd.s32 $0xFFFFC000  }
0x144: {  	_ =	swait.ge [sflag:s17], $0x4000  }
0x145: {  	[sflag:s17] =	ssyncset.done $0x0  }
0x146: {  	[sflag:s17] =	ssyncadd.s32 $0xFFFFC000  }
0x147: {  	[tilespmem:s18], [sflag:$0x2] =	stream.indirect.gather [hbm4b:s1+s13], $0x80, s28, s13, $0xb8;
	[tilespmem:$0x18800] =	vst v63  }
0x148: {  	_ = 	snop  }
0x149: {  	[tilespmem:s20], [sflag:$0x2] =	stream.indirect.gather [hbm4b:s1+s13], $0x80, s29, s13, $0xb8;
	[tilespmem:$0x18800] =	vst v63  }
0x14a: {  	s3 =	simm.s32 $0x0  }
0x14b: {  	[tilespmem:s22], [sflag:$0x2] =	stream.indirect.gather [hbm4b:s2+s13], $0x80, s30, s13, $0xb8;
	[tilespmem:$0x18800] =	vst v63  }
.LBB2_10:
0x14c: {  	s19 =	sshll.u32 s3, $0x4;
	v1 =	vlaneseq.u32  }
0x14d: {  	v0 =	vmov s19;
	v2 =	vmul.u32 $0x80, v1  }
0x14e: {  	v0 =	vshll.u32 v0, $0x7  }
0x14f: {  	v0 =	vor.u32 v2, v0;
	v2 =	vand.u32 $0x7F, v1  }
0x150: {  	v2 =	vor.u32 v0, v2  }
0x151: {  	v3 =	vadd.s32 $0x1, v1  }
0x152: {  	v3 =	vand.u32 $0x7F, v3  }
0x153: {  	v3 =	vor.u32 v0, v3;
	_ =	sdelay $0x1  }
0x154: {  	v5 =	vld.idx.msk [tilespmem:v2+s16+$0x0], $0xffff  }
0x155: {  	v4 =	vadd.s32 $0x2, v1;
	v6 =	vld.idx.msk [tilespmem:v2+s14+$0x0], $0xffff  }
0x156: {  	v4 =	vand.u32 $0x7F, v4;
	v2 =	vld.idx.msk [tilespmem:v2+s15+$0x0], $0xffff  }
0x157: {  	v4 =	vor.u32 v0, v4;
	v9 =	vld.idx.msk [tilespmem:v3+s14+$0x0], $0xffff  }
0x158: {  	v7 =	vadd.s32 $0x3, v1;
	v10 =	vld.idx.msk [tilespmem:v3+s15+$0x0], $0xffff  }
0x159: {  	v8 =	vadd.s32 $0x4, v1;
	v7 =	vand.u32 $0x7F, v7;
	v3 =	vld.idx.msk [tilespmem:v3+s16+$0x0], $0xffff  }
0x15a: {  	v8 =	vand.u32 $0x7F, v8;
	v7 =	vor.u32 v0, v7  }
0x15b: {  	v11 =	vimm.f32 $0.0e+00;
	v12 =	vadd.s32 $0x5, v1;
	v8 =	vor.u32 v0, v8  }
0x15c: {  	v16 =	vadd.s32 $0x7, v1;
	v13 =	vld.idx.msk [tilespmem:v4+s14+$0x0], $0xffff;
	v14 =	vmul.f32 v6, v6;
	v15 =	vmul.f32 v5, v6  }
0x15d: {  	v19 =	vadd.s32 $0x6, v1;
	v18 =	vld.idx.msk [tilespmem:v4+s15+$0x0], $0xffff;
	v17 =	vmul.f32 v2, v2;
	v6 =	vmul.f32 v2, v6  }
0x15e: {  	v16 =	vand.u32 $0x7F, v16;
	v20 =	vld.idx.msk [tilespmem:v4+s16+$0x0], $0xffff;
	v2 =	vmul.f32 v5, v2;
	v21 =	vmul.f32 v3, v9  }
0x15f: {  	v1 =	vadd.s32 $0x8, v1;
	v24 =	vld.idx.msk [tilespmem:v7+s15+$0x0], $0xffff;
	v23 =	vmul.f32 v9, v9;
	v22 =	vmul.f32 v10, v10  }
0x160: {  	v27 =	vld.idx.msk [tilespmem:v8+s16+$0x0], $0xffff;
	v4 =	vadd.f32 v14, v11;
	v14 =	vor.u32 v0, v16;
	v16 =	vadd.f32 v17, v11  }
0x161: {  	v5 =	vld.idx.msk [tilespmem:v7+s16+$0x0], $0xffff;
	v17 =	vadd.f32 v6, v11;
	v6 =	vand.u32 $0x7F, v12;
	v2 =	vadd.f32 v2, v11  }
0x162: {  	v12 =	vmul.f32 v10, v9;
	v11 =	vadd.f32 v15, v11;
	v15 =	vmul.f32 v3, v10;
	v10 =	vld.idx.msk [tilespmem:v7+s14+$0x0], $0xffff  }
0x163: {  	v25 =	vmul.f32 v20, v18;
	v9 =	vand.u32 $0x7F, v19;
	v26 =	vor.u32 v0, v6;
	v6 =	vld.idx.msk [tilespmem:v8+s15+$0x0], $0xffff  }
0x164: {  	v8 =	vld.idx.msk [tilespmem:v8+s14+$0x0], $0xffff;
	v3 =	vadd.f32 v12, v17;
	v12 =	vmul.f32 v18, v13;
	v15 =	vadd.f32 v15, v2  }
0x165: {  	v20 =	vmul.f32 v20, v13;
	v9 =	vor.u32 v0, v9;
	v17 =	vmul.f32 v18, v18;
	v2 =	vld.idx.msk [tilespmem:v14+s16+$0x0], $0xffff  }
0x166: {  	v7 =	vadd.f32 v12, v3;
	v12 =	vadd.f32 v25, v15;
	v15 =	vmul.f32 v5, v24;
	v3 =	vld.idx.msk [tilespmem:v14+s14+$0x0], $0xffff  }
0x167: {  	v18 =	vmul.f32 v24, v24;
	v22 =	vadd.f32 v22, v16;
	v23 =	vadd.f32 v23, v4;
	v4 =	vld.idx.msk [tilespmem:v14+s15+$0x0], $0xffff  }
0x168: {  	v25 =	vmul.f32 v13, v13;
	v28 =	vmul.f32 v27, v6;
	v14 =	vadd.f32 v15, v12;
	v12 =	vld.idx.msk [tilespmem:v26+s16+$0x0], $0xffff  }
0x169: {  	v21 =	vadd.f32 v21, v11;
	v16 =	vmul.f32 v24, v10;
	v19 =	vmul.f32 v6, v6;
	v13 =	vld.idx.msk [tilespmem:v26+s15+$0x0], $0xffff  }
0x16a: {  	s21 =	simm.s32 $0xF;
	v15 =	vmul.f32 v27, v8;
	v24 =	vmul.f32 v8, v8;
	v11 =	vadd.f32 v28, v14;
	v14 =	vld.idx.msk [tilespmem:v26+s14+$0x0], $0xffff  }
.LBB2_11:
0x16b: {  	p0 =	sne.s32 s21, $0x1;
	s21 =	sadd.s32 $0xFFFFFFFF, s21;
	v20 =	vadd.f32 v20, v21;
	v5 =	vmul.f32 v5, v10;
	v6 =	vmul.f32 v6, v8;
	v8 =	vld.idx.msk [tilespmem:v9+s16+$0x0], $0xffff  }
0x16c: {  	v17 =	vadd.f32 v17, v22;
	v22 =	vmul.f32 v3, v3;
	v21 =	vld.idx.msk [tilespmem:v9+s14+$0x0], $0xffff  }
0x16d: {  	v23 =	vadd.f32 v25, v23;
	v10 =	vmul.f32 v10, v10;
	v5 =	vadd.f32 v5, v20;
	v9 =	vld.idx.msk [tilespmem:v9+s15+$0x0], $0xffff  }
0x16e: {  	v17 =	vadd.f32 v18, v17;
	v18 =	vmul.f32 v4, v4;
	v20 =	vmul.f32 v2, v4  }
0x16f: {  	v10 =	vadd.f32 v10, v23;
	v5 =	vadd.f32 v15, v5;
	v15 =	vmul.f32 v12, v13  }
0x170: {  	v7 =	vadd.f32 v16, v7;
	v16 =	vmul.f32 v13, v13;
	v13 =	vmul.f32 v13, v14  }
0x171: {  	v2 =	vmul.f32 v2, v3;
	v17 =	vadd.f32 v19, v17;
	v12 =	vmul.f32 v12, v14  }
0x172: {  	v19 =	vand.u32 $0x7F, v1;
	v10 =	vadd.f32 v24, v10;
	v14 =	vmul.f32 v14, v14  }
0x173: {  	v6 =	vadd.f32 v6, v7;
	v19 =	vor.u32 v0, v19;
	v5 =	vadd.f32 v12, v5  }
0x174: {  	v7 =	vadd.s32 $0x1, v1;
	v11 =	vadd.f32 v15, v11;
	v12 =	vmul.f32 v21, v21  }
0x175: {  	v7 =	vand.u32 $0x7F, v7;
	v15 =	vadd.f32 v16, v17;
	v16 =	vmul.f32 v9, v21  }
0x176: {  	v7 =	vor.u32 v0, v7;
	v10 =	vadd.f32 v14, v10;
	v14 =	vmul.f32 v8, v9  }
0x177: {  	v17 =	vadd.s32 $0x2, v1;
	v6 =	vadd.f32 v13, v6;
	v9 =	vmul.f32 v9, v9  }
0x178: {  	v3 =	vmul.f32 v4, v3;
	v17 =	vand.u32 $0x7F, v17;
	v8 =	vmul.f32 v8, v21;
	v13 =	vld.idx.msk [tilespmem:v19+s16+$0x0], $0xffff  }
0x179: {  	v17 =	vor.u32 v0, v17;
	v10 =	vadd.f32 v12, v10;
	v9 =	vadd.f32 v9, v15;
	v4 =	vld.idx.msk [tilespmem:v19+s14+$0x0], $0xffff  }
0x17a: {  	v15 =	vadd.s32 $0x3, v1;
	v6 =	vadd.f32 v16, v6;
	v11 =	vadd.f32 v14, v11;
	v12 =	vld.idx.msk [tilespmem:v19+s15+$0x0], $0xffff  }
0x17b: {  	v5 =	vadd.f32 v8, v5;
	v15 =	vand.u32 $0x7F, v15;
	v8 =	vadd.f32 v18, v9;
	v14 =	vld.idx.msk [tilespmem:v7+s14+$0x0], $0xffff  }
0x17c: {  	v16 =	vadd.s32 $0x4, v1;
	v15 =	vor.u32 v0, v15;
	v11 =	vadd.f32 v20, v11;
	v9 =	vld.idx.msk [tilespmem:v7+s15+$0x0], $0xffff  }
0x17d: {  	v16 =	vand.u32 $0x7F, v16;
	v10 =	vadd.f32 v22, v10;
	v3 =	vadd.f32 v3, v6;
	v7 =	vld.idx.msk [tilespmem:v7+s16+$0x0], $0xffff  }
0x17e: {  	v16 =	vor.u32 v0, v16;
	v6 =	vadd.s32 $0x5, v1;
	v2 =	vadd.f32 v2, v5;
	v20 =	vld.idx.msk [tilespmem:v17+s14+$0x0], $0xffff  }
0x17f: {  	v21 =	vadd.s32 $0x7, v1;
	v5 =	vmul.f32 v4, v4;
	v18 =	vmul.f32 v13, v4;
	v19 =	vld.idx.msk [tilespmem:v17+s15+$0x0], $0xffff  }
0x180: {  	v22 =	vmul.f32 v12, v12;
	v4 =	vmul.f32 v12, v4;
	v24 =	vld.idx.msk [tilespmem:v17+s16+$0x0], $0xffff;
	v17 =	vand.u32 $0x7F, v21  }
0x181: {  	v21 =	vadd.f32 v5, v10;
	v10 =	vmul.f32 v13, v12;
	v5 =	vld.idx.msk [tilespmem:v15+s16+$0x0], $0xffff;
	v12 =	vor.u32 v0, v17  }
0x182: {  	v13 =	vadd.f32 v22, v8;
	v3 =	vadd.f32 v4, v3;
	v4 =	vand.u32 $0x7F, v6;
	v26 =	vld.idx.msk [tilespmem:v15+s15+$0x0], $0xffff  }
0x183: {  	v8 =	vmul.f32 v9, v14;
	v10 =	vadd.f32 v10, v11;
	v27 =	vor.u32 v0, v4;
	v11 =	vld.idx.msk [tilespmem:v16+s16+$0x0], $0xffff  }
0x184: {  	v28 =	vadd.f32 v18, v2;
	v2 =	vmul.f32 v7, v9;
	v4 =	vadd.s32 $0x6, v1;
	v6 =	vld.idx.msk [tilespmem:v16+s15+$0x0], $0xffff  }
0x185: {  	v29 =	vmul.f32 v7, v14;
	v3 =	vadd.f32 v8, v3;
	v7 =	vmul.f32 v19, v20;
	v8 =	vld.idx.msk [tilespmem:v16+s14+$0x0], $0xffff  }
0x186: {  	v14 =	vmul.f32 v14, v14;
	v17 =	vmul.f32 v19, v19;
	v16 =	vadd.f32 v2, v10;
	v2 =	vld.idx.msk [tilespmem:v12+s16+$0x0], $0xffff  }
0x187: {  	v22 =	vmul.f32 v9, v9;
	v4 =	vand.u32 $0x7F, v4;
	v19 =	vmul.f32 v24, v19;
	v10 =	vld.idx.msk [tilespmem:v15+s14+$0x0], $0xffff  }
0x188: {  	v9 =	vor.u32 v0, v4;
	v7 =	vadd.f32 v7, v3;
	v18 =	vmul.f32 v26, v26  }
.Ltmp4:
0x189: {  	v22 =	vadd.f32 v22, v13;
	v13 =	vadd.f32 v19, v16;
	v15 =	vmul.f32 v5, v26;
	v3 =	vld.idx.msk [tilespmem:v12+s14+$0x0], $0xffff;
	(pc) =	sbr.rel @p0 .LBB2_11-.Ltmp4, $4  }
0x18a: {  	v23 =	vadd.f32 v14, v21;
	v19 =	vmul.f32 v6, v6;
	v14 =	vmul.f32 v11, v6;
	v4 =	vld.idx.msk [tilespmem:v12+s15+$0x0], $0xffff  }
0x18b: {  	v25 =	vmul.f32 v20, v20;
	v20 =	vmul.f32 v24, v20;
	v30 =	vadd.f32 v15, v13;
	v12 =	vld.idx.msk [tilespmem:v27+s16+$0x0], $0xffff  }
0x18c: {  	v1 =	vadd.s32 $0x8, v1;
	v21 =	vadd.f32 v29, v28;
	v15 =	vmul.f32 v11, v8;
	v13 =	vld.idx.msk [tilespmem:v27+s15+$0x0], $0xffff  }
0x18d: {  	v24 =	vmul.f32 v8, v8;
	v11 =	vadd.f32 v14, v30;
	v16 =	vmul.f32 v26, v10;
	v14 =	vld.idx.msk [tilespmem:v27+s14+$0x0], $0xffff  }
0x18e: {  	_ =	sdelay $0x2  }
0x18f: {  	v0 =	vadd.f32 v25, v23;
	v1 =	vmul.f32 v10, v10  }
0x190: {  	v17 =	vadd.f32 v17, v22;
	v63 =	vld.idx.msk [tilespmem:v9+s14+$0x0], $0xffff  }
0x191: {  	v28 =	vld.idx.msk [tilespmem:v9+s15+$0x0], $0xffff;
	v0 =	vadd.f32 v1, v0  }
0x192: {  	v29 =	vadd.f32 v18, v17  }
0x193: {  	v0 =	vadd.f32 v24, v0;
	v30 =	vmul.f32 v14, v14  }
0x194: {  	v31 =	vmul.f32 v13, v13;
	v1 =	vadd.f32 v19, v29  }
0x195: {  	v32 =	vmul.f32 v63, v63;
	v0 =	vadd.f32 v30, v0  }
0x196: {  	v33 =	vmul.f32 v28, v28;
	v1 =	vadd.f32 v31, v1  }
0x197: {  	v34 =	vmul.f32 v3, v3;
	v0 =	vadd.f32 v32, v0  }
0x198: {  	v35 =	vmul.f32 v4, v4;
	v1 =	vadd.f32 v33, v1  }
0x199: {  	v0 =	vadd.f32 v34, v0  }
0x19a: {  	v1 =	vadd.f32 v35, v1  }
0x19b: {  	v36 =	vmax.f32 v0, $1.000000020e-24  }
0x19c: {  	v19 =	vmax.f32 v1, $1.000000020e-24;
	v37 =	vshra.s32 v36, $0x1  }
0x19d: {  	v17 =	vmul.f32 $5.000000000e-01, v36;
	v38 =	vshra.s32 v19, $0x1;
	v19 =	vmul.f32 $5.000000000e-01, v19  }
0x19e: {  	v18 =	vsub.s32 $0x5F3759DF, v37;
	v24 =	vsub.s32 $0x5F3759DF, v38  }
0x19f: {  	v39 =	vmul.f32 v18, v17;
	v26 =	vmul.f32 v24, v19;
	_ =	sdelay $0x1  }
0x1a0: {  	v25 =	vmul.f32 v18, v39;
	v26 =	vmul.f32 v24, v26;
	_ =	sdelay $0x1  }
0x1a1: {  	v25 =	vsub.f32 $1.500000000e+00, v25;
	v26 =	vsub.f32 $1.500000000e+00, v26;
	_ =	sdelay $0x1  }
0x1a2: {  	v18 =	vmul.f32 v18, v25;
	v24 =	vmul.f32 v24, v26;
	_ =	sdelay $0x1  }
0x1a3: {  	v25 =	vmul.f32 v18, v17;
	v26 =	vmul.f32 v24, v19;
	_ =	sdelay $0x1  }
0x1a4: {  	v25 =	vmul.f32 v25, v18;
	v26 =	vmul.f32 v26, v24;
	_ =	sdelay $0x1  }
0x1a5: {  	v5 =	vmul.f32 v5, v10;
	v40 =	vsub.f32 $1.500000000e+00, v25;
	v41 =	vsub.f32 $1.500000000e+00, v26  }
0x1a6: {  	v20 =	vadd.f32 v20, v21;
	v6 =	vmul.f32 v6, v8;
	v50 =	vmul.f32 v2, v3  }
0x1a7: {  	v7 =	vadd.f32 v16, v7;
	v42 =	vmul.f32 v40, v18;
	v43 =	vmul.f32 v41, v24  }
0x1a8: {  	v44 =	vld.idx.msk [tilespmem:v9+s16+$0x0], $0xffff;
	v55 =	vmul.f32 v4, v3;
	v5 =	vadd.f32 v5, v20;
	v45 =	vmul.f32 v12, v13  }
0x1a9: {  	v6 =	vadd.f32 v6, v7;
	v47 =	vmul.f32 v42, v17;
	v48 =	vmul.f32 v43, v19  }
0x1aa: {  	v46 =	vmul.f32 v12, v14;
	v5 =	vadd.f32 v15, v5;
	v49 =	vmul.f32 v13, v14  }
0x1ab: {  	v51 =	vmul.f32 v47, v42;
	v52 =	vmul.f32 v48, v43  }
0x1ac: {  	v53 =	vmul.f32 v28, v63;
	v5 =	vadd.f32 v46, v5;
	v6 =	vadd.f32 v49, v6  }
0x1ad: {  	v54 =	vmul.f32 v44, v63;
	v7 =	vsub.f32 $1.500000000e+00, v51;
	v12 =	vsub.f32 $1.500000000e+00, v52  }
0x1ae: {  	v11 =	vadd.f32 v45, v11;
	v9 =	vmul.f32 v44, v28;
	v6 =	vadd.f32 v53, v6  }
0x1af: {  	v5 =	vadd.f32 v54, v5;
	v7 =	vmul.f32 v7, v42;
	v56 =	vmul.f32 v12, v43  }
0x1b0: {  	v57 =	vmul.f32 v2, v4;
	v58 =	vadd.f32 v9, v11  }
0x1b1: {  	v3 =	vadd.f32 v55, v6;
	v5 =	vadd.f32 v50, v5;
	v59 =	vmul.f32 v56, v7  }
0x1b2: {  	v2 =	vadd.f32 v57, v58;
	v0 =	vmul.f32 v7, v0;
	v1 =	vmul.f32 v56, v1  }
0x1b3: {  	v60 =	vmul.f32 v7, v5;
	v3 =	vmul.f32 v59, v3  }
0x1b4: {  	v2 =	vmul.f32 v56, v2  }
0x1b5: {  	v0 =	vmul.f32 v0, v7;
	v1 =	vmul.f32 v1, v56;
	v3 =	vsub.f32 v60, v3;
	_ =	sdelay $0x1  }
0x1b6: {  	v0 =	vadd.f32 v1, v0;
	v61 =	vsub.f32 v3, v2;
	_ =	sdelay $0x1  }
0x1b7: {  	v0 =	vadd.f32 $1.000000000e+00, v0;
	v1 =	vadd.f32 v61, v61;
	_ =	sdelay $0x1  }
0x1b8: {  	v0 =	vadd.f32 v1, v0;
	_ =	sdelay $0x1  }
0x1b9: {  	v1 =	vmax.f32 v0, $1.000000000e-30  }
0x1ba: {  	v62 =	vshra.s32 v1, $0x1;
	v1 =	vmul.f32 $5.000000000e-01, v1  }
0x1bb: {  	v2 =	vsub.s32 $0x5F3759DF, v62  }
0x1bc: {  	v63 =	vmul.f32 v2, v1;
	_ =	sdelay $0x1  }
0x1bd: {  	v3 =	vmul.f32 v2, v63;
	_ =	sdelay $0x1  }
0x1be: {  	v3 =	vsub.f32 $1.500000000e+00, v3;
	_ =	sdelay $0x1  }
0x1bf: {  	v2 =	vmul.f32 v2, v3;
	_ =	sdelay $0x1  }
0x1c0: {  	v3 =	vmul.f32 v2, v1;
	_ =	sdelay $0x1  }
0x1c1: {  	v3 =	vmul.f32 v3, v2;
	_ =	sdelay $0x1  }
0x1c2: {  	v3 =	vsub.f32 $1.500000000e+00, v3;
	_ =	sdelay $0x1  }
0x1c3: {  	v2 =	vmul.f32 v3, v2;
	_ =	sdelay $0x1  }
0x1c4: {  	v1 =	vmul.f32 v2, v1;
	_ =	sdelay $0x1  }
0x1c5: {  	v1 =	vmul.f32 v1, v2;
	_ =	sdelay $0x1  }
0x1c6: {  	s3 =	sadd.s32 $0x1, s3;
	v1 =	vsub.f32 $1.500000000e+00, v1  }
0x1c7: {  	p0 =	sne.s32 s3, $0x8  }
.Ltmp5:
0x1c8: {  	v1 =	vmul.f32 v1, v2;
	(pc) =	sbr.rel @p0 .LBB2_10-.Ltmp5, $3  }
0x1c9: {  	v0 =	vmax.f32 v0, $0.0e+00  }
0x1ca: {  	v0 =	vmul.f32 v1, v0;
	_ =	sdelay $0x1  }
0x1cb: {  	[tilespmem:s19+$0x18700] =	vst v0  }
0x1cc: {  	_ =	swait.ge [sflag:s23], $0x4000  }
0x1cd: {  	[sflag:s23] =	ssyncset.done $0x0  }
0x1ce: {  	[sflag:s23] =	ssyncadd.s32 $0xFFFFC000  }
0x1cf: {  	_ =	swait.ge [sflag:s23], $0x4000  }
0x1d0: {  	[sflag:s23] =	ssyncset.done $0x0  }
0x1d1: {  	[sflag:s23] =	ssyncadd.s32 $0xFFFFC000  }
0x1d2: {  	_ =	swait.ge [sflag:s23], $0x4000  }
0x1d3: {  	[sflag:s23] =	ssyncset.done $0x0  }
0x1d4: {  	s3 =	simm.s32 $0x0;
	[sflag:s23] =	ssyncadd.s32 $0xFFFFC000  }
.LBB2_14:
0x1d5: {  	s19 =	sshll.u32 s3, $0x4;
	v1 =	vlaneseq.u32  }
0x1d6: {  	v0 =	vmov s19;
	v2 =	vmul.u32 $0x80, v1  }
0x1d7: {  	v0 =	vshll.u32 v0, $0x7  }
0x1d8: {  	v0 =	vor.u32 v2, v0;
	v2 =	vand.u32 $0x7F, v1  }
0x1d9: {  	v2 =	vor.u32 v0, v2  }
0x1da: {  	v3 =	vadd.s32 $0x1, v1  }
0x1db: {  	v3 =	vand.u32 $0x7F, v3  }
0x1dc: {  	v3 =	vor.u32 v0, v3;
	_ =	sdelay $0x1  }
0x1dd: {  	v5 =	vld.idx.msk [tilespmem:v2+s22+$0x0], $0xffff  }
0x1de: {  	v4 =	vadd.s32 $0x2, v1;
	v6 =	vld.idx.msk [tilespmem:v2+s18+$0x0], $0xffff  }
0x1df: {  	v4 =	vand.u32 $0x7F, v4;
	v2 =	vld.idx.msk [tilespmem:v2+s20+$0x0], $0xffff  }
0x1e0: {  	v4 =	vor.u32 v0, v4;
	v9 =	vld.idx.msk [tilespmem:v3+s18+$0x0], $0xffff  }
0x1e1: {  	v7 =	vadd.s32 $0x3, v1;
	v10 =	vld.idx.msk [tilespmem:v3+s20+$0x0], $0xffff  }
0x1e2: {  	v8 =	vadd.s32 $0x4, v1;
	v7 =	vand.u32 $0x7F, v7;
	v3 =	vld.idx.msk [tilespmem:v3+s22+$0x0], $0xffff  }
0x1e3: {  	v8 =	vand.u32 $0x7F, v8;
	v7 =	vor.u32 v0, v7  }
0x1e4: {  	v11 =	vimm.f32 $0.0e+00;
	v12 =	vadd.s32 $0x5, v1;
	v8 =	vor.u32 v0, v8  }
0x1e5: {  	v16 =	vadd.s32 $0x7, v1;
	v13 =	vld.idx.msk [tilespmem:v4+s18+$0x0], $0xffff;
	v14 =	vmul.f32 v6, v6;
	v15 =	vmul.f32 v5, v6  }
0x1e6: {  	v19 =	vadd.s32 $0x6, v1;
	v18 =	vld.idx.msk [tilespmem:v4+s20+$0x0], $0xffff;
	v17 =	vmul.f32 v2, v2;
	v6 =	vmul.f32 v2, v6  }
0x1e7: {  	v16 =	vand.u32 $0x7F, v16;
	v20 =	vld.idx.msk [tilespmem:v4+s22+$0x0], $0xffff;
	v2 =	vmul.f32 v5, v2;
	v21 =	vmul.f32 v3, v9  }
0x1e8: {  	v1 =	vadd.s32 $0x8, v1;
	v24 =	vld.idx.msk [tilespmem:v7+s20+$0x0], $0xffff;
	v23 =	vmul.f32 v9, v9;
	v22 =	vmul.f32 v10, v10  }
0x1e9: {  	v27 =	vld.idx.msk [tilespmem:v8+s22+$0x0], $0xffff;
	v4 =	vadd.f32 v14, v11;
	v14 =	vor.u32 v0, v16;
	v16 =	vadd.f32 v17, v11  }
0x1ea: {  	v5 =	vld.idx.msk [tilespmem:v7+s22+$0x0], $0xffff;
	v17 =	vadd.f32 v6, v11;
	v6 =	vand.u32 $0x7F, v12;
	v2 =	vadd.f32 v2, v11  }
0x1eb: {  	v12 =	vmul.f32 v10, v9;
	v11 =	vadd.f32 v15, v11;
	v15 =	vmul.f32 v3, v10;
	v10 =	vld.idx.msk [tilespmem:v7+s18+$0x0], $0xffff  }
0x1ec: {  	v25 =	vmul.f32 v20, v18;
	v9 =	vand.u32 $0x7F, v19;
	v26 =	vor.u32 v0, v6;
	v6 =	vld.idx.msk [tilespmem:v8+s20+$0x0], $0xffff  }
0x1ed: {  	v8 =	vld.idx.msk [tilespmem:v8+s18+$0x0], $0xffff;
	v3 =	vadd.f32 v12, v17;
	v12 =	vmul.f32 v18, v13;
	v15 =	vadd.f32 v15, v2  }
0x1ee: {  	v20 =	vmul.f32 v20, v13;
	v9 =	vor.u32 v0, v9;
	v17 =	vmul.f32 v18, v18;
	v2 =	vld.idx.msk [tilespmem:v14+s22+$0x0], $0xffff  }
0x1ef: {  	v7 =	vadd.f32 v12, v3;
	v12 =	vadd.f32 v25, v15;
	v15 =	vmul.f32 v5, v24;
	v3 =	vld.idx.msk [tilespmem:v14+s18+$0x0], $0xffff  }
0x1f0: {  	v18 =	vmul.f32 v24, v24;
	v22 =	vadd.f32 v22, v16;
	v23 =	vadd.f32 v23, v4;
	v4 =	vld.idx.msk [tilespmem:v14+s20+$0x0], $0xffff  }
0x1f1: {  	v25 =	vmul.f32 v13, v13;
	v28 =	vmul.f32 v27, v6;
	v14 =	vadd.f32 v15, v12;
	v12 =	vld.idx.msk [tilespmem:v26+s22+$0x0], $0xffff  }
0x1f2: {  	v21 =	vadd.f32 v21, v11;
	v16 =	vmul.f32 v24, v10;
	v19 =	vmul.f32 v6, v6;
	v13 =	vld.idx.msk [tilespmem:v26+s20+$0x0], $0xffff  }
0x1f3: {  	s21 =	simm.s32 $0xF;
	v15 =	vmul.f32 v27, v8;
	v24 =	vmul.f32 v8, v8;
	v11 =	vadd.f32 v28, v14;
	v14 =	vld.idx.msk [tilespmem:v26+s18+$0x0], $0xffff  }
.LBB2_15:
0x1f4: {  	p0 =	sne.s32 s21, $0x1;
	s21 =	sadd.s32 $0xFFFFFFFF, s21;
	v20 =	vadd.f32 v20, v21;
	v5 =	vmul.f32 v5, v10;
	v6 =	vmul.f32 v6, v8;
	v8 =	vld.idx.msk [tilespmem:v9+s22+$0x0], $0xffff  }
0x1f5: {  	v17 =	vadd.f32 v17, v22;
	v22 =	vmul.f32 v3, v3;
	v21 =	vld.idx.msk [tilespmem:v9+s18+$0x0], $0xffff  }
0x1f6: {  	v23 =	vadd.f32 v25, v23;
	v10 =	vmul.f32 v10, v10;
	v5 =	vadd.f32 v5, v20;
	v9 =	vld.idx.msk [tilespmem:v9+s20+$0x0], $0xffff  }
0x1f7: {  	v17 =	vadd.f32 v18, v17;
	v18 =	vmul.f32 v4, v4;
	v20 =	vmul.f32 v2, v4  }
0x1f8: {  	v10 =	vadd.f32 v10, v23;
	v5 =	vadd.f32 v15, v5;
	v15 =	vmul.f32 v12, v13  }
0x1f9: {  	v7 =	vadd.f32 v16, v7;
	v16 =	vmul.f32 v13, v13;
	v13 =	vmul.f32 v13, v14  }
0x1fa: {  	v2 =	vmul.f32 v2, v3;
	v17 =	vadd.f32 v19, v17;
	v12 =	vmul.f32 v12, v14  }
0x1fb: {  	v19 =	vand.u32 $0x7F, v1;
	v10 =	vadd.f32 v24, v10;
	v14 =	vmul.f32 v14, v14  }
0x1fc: {  	v6 =	vadd.f32 v6, v7;
	v19 =	vor.u32 v0, v19;
	v5 =	vadd.f32 v12, v5  }
0x1fd: {  	v7 =	vadd.s32 $0x1, v1;
	v11 =	vadd.f32 v15, v11;
	v12 =	vmul.f32 v21, v21  }
0x1fe: {  	v7 =	vand.u32 $0x7F, v7;
	v15 =	vadd.f32 v16, v17;
	v16 =	vmul.f32 v9, v21  }
0x1ff: {  	v7 =	vor.u32 v0, v7;
	v10 =	vadd.f32 v14, v10;
	v14 =	vmul.f32 v8, v9  }
0x200: {  	v17 =	vadd.s32 $0x2, v1;
	v6 =	vadd.f32 v13, v6;
	v9 =	vmul.f32 v9, v9  }
0x201: {  	v3 =	vmul.f32 v4, v3;
	v17 =	vand.u32 $0x7F, v17;
	v8 =	vmul.f32 v8, v21;
	v13 =	vld.idx.msk [tilespmem:v19+s22+$0x0], $0xffff  }
0x202: {  	v17 =	vor.u32 v0, v17;
	v10 =	vadd.f32 v12, v10;
	v9 =	vadd.f32 v9, v15;
	v4 =	vld.idx.msk [tilespmem:v19+s18+$0x0], $0xffff  }
0x203: {  	v15 =	vadd.s32 $0x3, v1;
	v6 =	vadd.f32 v16, v6;
	v11 =	vadd.f32 v14, v11;
	v12 =	vld.idx.msk [tilespmem:v19+s20+$0x0], $0xffff  }
0x204: {  	v5 =	vadd.f32 v8, v5;
	v15 =	vand.u32 $0x7F, v15;
	v8 =	vadd.f32 v18, v9;
	v14 =	vld.idx.msk [tilespmem:v7+s18+$0x0], $0xffff  }
0x205: {  	v16 =	vadd.s32 $0x4, v1;
	v15 =	vor.u32 v0, v15;
	v11 =	vadd.f32 v20, v11;
	v9 =	vld.idx.msk [tilespmem:v7+s20+$0x0], $0xffff  }
0x206: {  	v16 =	vand.u32 $0x7F, v16;
	v10 =	vadd.f32 v22, v10;
	v3 =	vadd.f32 v3, v6;
	v7 =	vld.idx.msk [tilespmem:v7+s22+$0x0], $0xffff  }
0x207: {  	v16 =	vor.u32 v0, v16;
	v6 =	vadd.s32 $0x5, v1;
	v2 =	vadd.f32 v2, v5;
	v20 =	vld.idx.msk [tilespmem:v17+s18+$0x0], $0xffff  }
0x208: {  	v21 =	vadd.s32 $0x7, v1;
	v5 =	vmul.f32 v4, v4;
	v18 =	vmul.f32 v13, v4;
	v19 =	vld.idx.msk [tilespmem:v17+s20+$0x0], $0xffff  }
0x209: {  	v22 =	vmul.f32 v12, v12;
	v4 =	vmul.f32 v12, v4;
	v24 =	vld.idx.msk [tilespmem:v17+s22+$0x0], $0xffff;
	v17 =	vand.u32 $0x7F, v21  }
0x20a: {  	v21 =	vadd.f32 v5, v10;
	v10 =	vmul.f32 v13, v12;
	v5 =	vld.idx.msk [tilespmem:v15+s22+$0x0], $0xffff;
	v12 =	vor.u32 v0, v17  }
0x20b: {  	v13 =	vadd.f32 v22, v8;
	v3 =	vadd.f32 v4, v3;
	v4 =	vand.u32 $0x7F, v6;
	v26 =	vld.idx.msk [tilespmem:v15+s20+$0x0], $0xffff  }
0x20c: {  	v8 =	vmul.f32 v9, v14;
	v10 =	vadd.f32 v10, v11;
	v27 =	vor.u32 v0, v4;
	v11 =	vld.idx.msk [tilespmem:v16+s22+$0x0], $0xffff  }
0x20d: {  	v28 =	vadd.f32 v18, v2;
	v2 =	vmul.f32 v7, v9;
	v4 =	vadd.s32 $0x6, v1;
	v6 =	vld.idx.msk [tilespmem:v16+s20+$0x0], $0xffff  }
0x20e: {  	v29 =	vmul.f32 v7, v14;
	v3 =	vadd.f32 v8, v3;
	v7 =	vmul.f32 v19, v20;
	v8 =	vld.idx.msk [tilespmem:v16+s18+$0x0], $0xffff  }
0x20f: {  	v14 =	vmul.f32 v14, v14;
	v17 =	vmul.f32 v19, v19;
	v16 =	vadd.f32 v2, v10;
	v2 =	vld.idx.msk [tilespmem:v12+s22+$0x0], $0xffff  }
0x210: {  	v22 =	vmul.f32 v9, v9;
	v4 =	vand.u32 $0x7F, v4;
	v19 =	vmul.f32 v24, v19;
	v10 =	vld.idx.msk [tilespmem:v15+s18+$0x0], $0xffff  }
0x211: {  	v9 =	vor.u32 v0, v4;
	v7 =	vadd.f32 v7, v3;
	v18 =	vmul.f32 v26, v26  }
.Ltmp6:
0x212: {  	v22 =	vadd.f32 v22, v13;
	v13 =	vadd.f32 v19, v16;
	v15 =	vmul.f32 v5, v26;
	v3 =	vld.idx.msk [tilespmem:v12+s18+$0x0], $0xffff;
	(pc) =	sbr.rel @p0 .LBB2_15-.Ltmp6, $4  }
0x213: {  	v23 =	vadd.f32 v14, v21;
	v19 =	vmul.f32 v6, v6;
	v14 =	vmul.f32 v11, v6;
	v4 =	vld.idx.msk [tilespmem:v12+s20+$0x0], $0xffff  }
0x214: {  	v25 =	vmul.f32 v20, v20;
	v20 =	vmul.f32 v24, v20;
	v30 =	vadd.f32 v15, v13;
	v12 =	vld.idx.msk [tilespmem:v27+s22+$0x0], $0xffff  }
0x215: {  	v1 =	vadd.s32 $0x8, v1;
	v21 =	vadd.f32 v29, v28;
	v15 =	vmul.f32 v11, v8;
	v13 =	vld.idx.msk [tilespmem:v27+s20+$0x0], $0xffff  }
0x216: {  	v24 =	vmul.f32 v8, v8;
	v11 =	vadd.f32 v14, v30;
	v16 =	vmul.f32 v26, v10;
	v14 =	vld.idx.msk [tilespmem:v27+s18+$0x0], $0xffff  }
0x217: {  	_ =	sdelay $0x2  }
0x218: {  	v0 =	vadd.f32 v25, v23;
	v1 =	vmul.f32 v10, v10  }
0x219: {  	v17 =	vadd.f32 v17, v22;
	v63 =	vld.idx.msk [tilespmem:v9+s18+$0x0], $0xffff  }
0x21a: {  	v28 =	vld.idx.msk [tilespmem:v9+s20+$0x0], $0xffff;
	v0 =	vadd.f32 v1, v0  }
0x21b: {  	v29 =	vadd.f32 v18, v17  }
0x21c: {  	v0 =	vadd.f32 v24, v0;
	v30 =	vmul.f32 v14, v14  }
0x21d: {  	v31 =	vmul.f32 v13, v13;
	v1 =	vadd.f32 v19, v29  }
0x21e: {  	v32 =	vmul.f32 v63, v63;
	v0 =	vadd.f32 v30, v0  }
0x21f: {  	v33 =	vmul.f32 v28, v28;
	v1 =	vadd.f32 v31, v1  }
0x220: {  	v34 =	vmul.f32 v3, v3;
	v0 =	vadd.f32 v32, v0  }
0x221: {  	v35 =	vmul.f32 v4, v4;
	v1 =	vadd.f32 v33, v1  }
0x222: {  	v0 =	vadd.f32 v34, v0  }
0x223: {  	v1 =	vadd.f32 v35, v1  }
0x224: {  	v36 =	vmax.f32 v0, $1.000000020e-24  }
0x225: {  	v19 =	vmax.f32 v1, $1.000000020e-24;
	v37 =	vshra.s32 v36, $0x1  }
0x226: {  	v17 =	vmul.f32 $5.000000000e-01, v36;
	v38 =	vshra.s32 v19, $0x1;
	v19 =	vmul.f32 $5.000000000e-01, v19  }
0x227: {  	v18 =	vsub.s32 $0x5F3759DF, v37;
	v24 =	vsub.s32 $0x5F3759DF, v38  }
0x228: {  	v39 =	vmul.f32 v18, v17;
	v26 =	vmul.f32 v24, v19;
	_ =	sdelay $0x1  }
0x229: {  	v25 =	vmul.f32 v18, v39;
	v26 =	vmul.f32 v24, v26;
	_ =	sdelay $0x1  }
0x22a: {  	v25 =	vsub.f32 $1.500000000e+00, v25;
	v26 =	vsub.f32 $1.500000000e+00, v26;
	_ =	sdelay $0x1  }
0x22b: {  	v18 =	vmul.f32 v18, v25;
	v24 =	vmul.f32 v24, v26;
	_ =	sdelay $0x1  }
0x22c: {  	v25 =	vmul.f32 v18, v17;
	v26 =	vmul.f32 v24, v19;
	_ =	sdelay $0x1  }
0x22d: {  	v25 =	vmul.f32 v25, v18;
	v26 =	vmul.f32 v26, v24;
	_ =	sdelay $0x1  }
0x22e: {  	v5 =	vmul.f32 v5, v10;
	v40 =	vsub.f32 $1.500000000e+00, v25;
	v41 =	vsub.f32 $1.500000000e+00, v26  }
0x22f: {  	v20 =	vadd.f32 v20, v21;
	v6 =	vmul.f32 v6, v8;
	v50 =	vmul.f32 v2, v3  }
0x230: {  	v7 =	vadd.f32 v16, v7;
	v42 =	vmul.f32 v40, v18;
	v43 =	vmul.f32 v41, v24  }
0x231: {  	v44 =	vld.idx.msk [tilespmem:v9+s22+$0x0], $0xffff;
	v55 =	vmul.f32 v4, v3;
	v5 =	vadd.f32 v5, v20;
	v45 =	vmul.f32 v12, v13  }
0x232: {  	v6 =	vadd.f32 v6, v7;
	v47 =	vmul.f32 v42, v17;
	v48 =	vmul.f32 v43, v19  }
0x233: {  	v46 =	vmul.f32 v12, v14;
	v5 =	vadd.f32 v15, v5;
	v49 =	vmul.f32 v13, v14  }
0x234: {  	v51 =	vmul.f32 v47, v42;
	v52 =	vmul.f32 v48, v43  }
0x235: {  	v53 =	vmul.f32 v28, v63;
	v5 =	vadd.f32 v46, v5;
	v6 =	vadd.f32 v49, v6  }
0x236: {  	v54 =	vmul.f32 v44, v63;
	v7 =	vsub.f32 $1.500000000e+00, v51;
	v12 =	vsub.f32 $1.500000000e+00, v52  }
0x237: {  	v11 =	vadd.f32 v45, v11;
	v9 =	vmul.f32 v44, v28;
	v6 =	vadd.f32 v53, v6  }
0x238: {  	v5 =	vadd.f32 v54, v5;
	v7 =	vmul.f32 v7, v42;
	v56 =	vmul.f32 v12, v43  }
0x239: {  	v57 =	vmul.f32 v2, v4;
	v58 =	vadd.f32 v9, v11  }
0x23a: {  	v3 =	vadd.f32 v55, v6;
	v5 =	vadd.f32 v50, v5;
	v59 =	vmul.f32 v56, v7  }
0x23b: {  	v2 =	vadd.f32 v57, v58;
	v0 =	vmul.f32 v7, v0;
	v1 =	vmul.f32 v56, v1  }
0x23c: {  	v60 =	vmul.f32 v7, v5;
	v3 =	vmul.f32 v59, v3  }
0x23d: {  	v2 =	vmul.f32 v56, v2  }
0x23e: {  	v0 =	vmul.f32 v0, v7;
	v1 =	vmul.f32 v1, v56;
	v3 =	vsub.f32 v60, v3;
	_ =	sdelay $0x1  }
0x23f: {  	v0 =	vadd.f32 v1, v0;
	v61 =	vsub.f32 v3, v2;
	_ =	sdelay $0x1  }
0x240: {  	v0 =	vadd.f32 $1.000000000e+00, v0;
	v1 =	vadd.f32 v61, v61;
	_ =	sdelay $0x1  }
0x241: {  	v0 =	vadd.f32 v1, v0;
	_ =	sdelay $0x1  }
0x242: {  	v1 =	vmax.f32 v0, $1.000000000e-30  }
0x243: {  	v62 =	vshra.s32 v1, $0x1;
	v1 =	vmul.f32 $5.000000000e-01, v1  }
0x244: {  	v2 =	vsub.s32 $0x5F3759DF, v62  }
0x245: {  	v63 =	vmul.f32 v2, v1;
	_ =	sdelay $0x1  }
0x246: {  	v3 =	vmul.f32 v2, v63;
	_ =	sdelay $0x1  }
0x247: {  	v3 =	vsub.f32 $1.500000000e+00, v3;
	_ =	sdelay $0x1  }
0x248: {  	v2 =	vmul.f32 v2, v3;
	_ =	sdelay $0x1  }
0x249: {  	v3 =	vmul.f32 v2, v1;
	_ =	sdelay $0x1  }
0x24a: {  	v3 =	vmul.f32 v3, v2;
	_ =	sdelay $0x1  }
0x24b: {  	v3 =	vsub.f32 $1.500000000e+00, v3;
	_ =	sdelay $0x1  }
0x24c: {  	v2 =	vmul.f32 v3, v2;
	_ =	sdelay $0x1  }
0x24d: {  	v1 =	vmul.f32 v2, v1;
	_ =	sdelay $0x1  }
0x24e: {  	v1 =	vmul.f32 v1, v2;
	_ =	sdelay $0x1  }
0x24f: {  	s3 =	sadd.s32 $0x1, s3;
	v1 =	vsub.f32 $1.500000000e+00, v1  }
0x250: {  	p0 =	sne.s32 s3, $0x8  }
.Ltmp7:
0x251: {  	v1 =	vmul.f32 v1, v2;
	(pc) =	sbr.rel @p0 .LBB2_14-.Ltmp7, $3  }
0x252: {  	v0 =	vmax.f32 v0, $0.0e+00  }
0x253: {  	v0 =	vmul.f32 v1, v0;
	_ =	sdelay $0x1  }
0x254: {  	[tilespmem:s19+$0x18780] =	vst v0  }
0x255: {  	s0 =	sadd.s32 $0x1, s0  }
0x256: {  	p0 =	sne.s32 s0, s9  }
.Ltmp8:
0x257: {  	_ = 	snop;
	(pc) =	sbr.rel @p0 .LBB2_1-.Ltmp8, $4  }
0x258: {  	[hbm4b:s8+s4] =	stream.linear.scatter [tilespmem:s31], [sflag:$0x3], $0x200, $0x38;
	[tilespmem:$0x18800] =	vst v63  }
0x259: {  	_ =	swait.ge [sflag:s10], $0x200  }
0x25a: {  	[sflag:s10] =	ssyncset.done $0x0  }
0x25b: {  	[sflag:s10] =	ssyncadd.s32 $0xFFFFFE00  }
0x25c: {  	_ =	sfence.sel $0x180000  }
0x25d: {  	[bflag:$0x0] =	sbarrier.arrive $0xFFFF  }
0x25e: {  	_ =	strace $0x90000047  }
0x25f: {  	s0 =	stileid.u32;
	[bflag:$0x2] =	sbarrier.arrive $0xFFFF  }
0x260: {  	p0 =	sne.s32 s0, $0x0;
	s0 =	rddreg [dreg:$0x4]  }
0x261: {  	s0 =	sadd.s32 @!p0 $0x100000, s0  }
0x262: {  	[sflag:s0] =	ssyncadd.tile.s32 @!p0 $0x1;
	_ =	shalt  }
.Lfunc_end2:
_tile_overlayer_lowered:
.L_overlay_start_2:
0x263: {  	(tag) =	ssettag $0x2  }
0x264: {  	s0 =	rddreg [dreg:$0x0];
	s2 =	stileid.u32  }
0x265: {  	s1 =	rddreg [dreg:$0x1];
	p0 =	sne.s32 s2, $0x0  }
0x266: {  	s3 =	rddreg [dreg:$0x2];
	[bflag:$0x3] =	sbarrier.arrive $0xFFFF;
	s2 =	simm.s32 @!p0 $0x1C03  }
0x267: {  	[timem:s3], [sflag:s2] =	dma.local @!p0 [hbm:s0], s1  }
0x268: {  	s0 =	simm.s32 @!p0 $0x3  }
0x269: {  	_ =	swait.ge @!p0 [sflag:s0], s1  }
0x26a: {  	s1 =	ssub.s32 @!p0 $0x0, s1;
	[sflag:s0] =	ssyncset.done @!p0 $0x0  }
0x26b: {  	[sflag:s0] =	ssyncadd.s32 @!p0 s1  }
0x26c: {  	[bflag:$0x3] =	sbarrier.arrive $0xFFFF  }
0x26d: {  	_ =	shalt  }

</sc_bundles>
